<compile_context>
chip_gen: v7x
topology: tpu7x:2x2x1
jax: 0.10.2.dev20260603
libtpu: 0.0.44.dev20260713+nightly
codegen_flags: <defaults>
</compile_context>

<pallas_src>
import functools

import jax
import jax.numpy as jnp
from jax import lax
from jax.experimental import pallas as pl
from jax.experimental.pallas import tpu as pltpu
from jax.experimental.pallas import tpu_sc as plsc

_K = 80
_MESH = plsc.VectorSubcoreMesh(core_axis_name="c", subcore_axis_name="s")
_RCH = 200
_BM = 1000


def _deg_call(src, dst, o2, z128, n):
    e = src.shape[0]
    cpt = e // (32 * _K)
    nchunk = n // _RCH
    tmax = (nchunk + 15) // 16

    @functools.partial(
        pl.kernel,
        out_type=jax.ShapeDtypeStruct((2 * n, 128), jnp.float32),
        mesh=_MESH,
        scratch_types=[
            pltpu.VMEM((_K,), jnp.int32),
            pltpu.VMEM((_K,), jnp.int32),
            pltpu.VMEM((_K, 128), jnp.float32),
            pltpu.VMEM((_K, 128), jnp.float32),
            pltpu.VMEM((_RCH, 128), jnp.float32),
            pltpu.VMEM_SHARED((n, 128), jnp.float32),
        ],
    )
    def deg_kernel(src_hbm, dst_hbm, o_hbm, z_hbm, out_hbm,
                   idxs, idxd, ones_s, ones_d, stage, acc):
        c = lax.axis_index("c")
        s = lax.axis_index("s")

        pltpu.sync_copy(z_hbm, stage)
        pltpu.sync_copy(o_hbm.at[pl.ds(0, _K)], ones_s)
        pltpu.sync_copy(o_hbm.at[pl.ds(_K, _K)], ones_d)

        @pl.loop(0, tmax)
        def _(t):
            q = s + t * 16

            @pl.when(q < nchunk)
            def _():
                pltpu.sync_copy(stage, acc.at[pl.ds(q * _RCH, _RCH)])

        plsc.subcore_barrier()

        w = c * 16 + s
        @pl.loop(0, cpt)
        def _(j):
            off = (w * cpt + j) * _K
            pltpu.sync_copy(src_hbm.at[pl.ds(off, _K)], idxs)
            pltpu.sync_copy(ones_s, acc.at[idxs], add=True)
            pltpu.sync_copy(dst_hbm.at[pl.ds(off, _K)], idxd)
            pltpu.sync_copy(ones_d, acc.at[idxd], add=True)

        plsc.subcore_barrier()

        @pl.loop(0, tmax)
        def _(t):
            q = s + t * 16

            @pl.when(q < nchunk)
            def _():
                r0 = q * _RCH
                pltpu.sync_copy(acc.at[pl.ds(r0, _RCH)], stage)
                pltpu.sync_copy(stage, out_hbm.at[pl.ds(c * n + r0, _RCH)])

    return deg_kernel(src, dst, o2, z128)


def _edge_call(src, dst, tbl_a, tbl_b, z128, n, layer1):
    e = src.shape[0]
    cpt = e // ((16 if layer1 else 32) * _K)
    nchunk = n // _RCH
    tmax = (nchunk + 15) // 16

    @functools.partial(
        pl.kernel,
        out_type=jax.ShapeDtypeStruct((2 * n, 128), jnp.float32),
        mesh=_MESH,
        scratch_types=[
            pltpu.VMEM((_K,), jnp.int32),
            pltpu.VMEM((_K,), jnp.int32),
            pltpu.VMEM((_K, 128), jnp.float32),
            pltpu.VMEM((_RCH, 128), jnp.float32),
            pltpu.VMEM_SHARED((n, 128), jnp.float32),
            pltpu.SemaphoreType.DMA,
        ],
    )
    def edge_kernel(src_hbm, dst_hbm, ta_hbm, tb_hbm, z_hbm, out_hbm,
                    idxs, idxd, rows, stage, acc, sem):
        c = lax.axis_index("c")
        s = lax.axis_index("s")

        pltpu.sync_copy(z_hbm, stage)

        @pl.loop(0, tmax)
        def _(t):
            q = s + t * 16

            @pl.when(q < nchunk)
            def _():
                pltpu.sync_copy(stage, acc.at[pl.ds(q * _RCH, _RCH)])

        plsc.subcore_barrier()

        base = (s if layer1 else c * 16 + s) * cpt

        @pl.loop(0, cpt)
        def _(j):
            off = (base + j) * _K
            pltpu.sync_copy(src_hbm.at[pl.ds(off, _K)], idxs)

            @pl.when(c == 0)
            def _():
                g = pltpu.async_copy(ta_hbm.at[idxs], rows, sem)
                pltpu.sync_copy(dst_hbm.at[pl.ds(off, _K)], idxd)
                g.wait()

            @pl.when(c == 1)
            def _():
                g = pltpu.async_copy(tb_hbm.at[idxs], rows, sem)
                pltpu.sync_copy(dst_hbm.at[pl.ds(off, _K)], idxd)
                g.wait()

            pltpu.sync_copy(rows, acc.at[idxd], add=True)

        plsc.subcore_barrier()

        @pl.loop(0, tmax)
        def _(t):
            q = s + t * 16

            @pl.when(q < nchunk)
            def _():
                r0 = q * _RCH
                pltpu.sync_copy(acc.at[pl.ds(r0, _RCH)], stage)
                pltpu.sync_copy(stage, out_hbm.at[pl.ds(c * n + r0, _RCH)])

    return edge_kernel(src, dst, tbl_a, tbl_b, z128)


def _norm(d0, d1, col):
    d = d0[:, col:col + 1] + d1[:, col:col + 1]
    return lax.rsqrt(jnp.maximum(d, 1.0))


def _mm1_call(feat, w1, dega, n):
    gm = n // _BM

    def body(x_ref, w_ref, d0, d1, o_ref):
        ns = _norm(d0[...], d1[...], 0)
        o_ref[...] = jnp.dot(x_ref[...] * ns, w_ref[...],
                             preferred_element_type=jnp.float32)

    return pl.pallas_call(
        body,
        grid=(gm, 2),
        in_specs=[
            pl.BlockSpec((_BM, 128), lambda i, j: (i, 0)),
            pl.BlockSpec((128, 128), lambda i, j: (0, j)),
            pl.BlockSpec((_BM, 128), lambda i, j: (i, 0)),
            pl.BlockSpec((_BM, 128), lambda i, j: (gm + i, 0)),
        ],
        out_specs=pl.BlockSpec((_BM, 128), lambda i, j: (j * gm + i, 0)),
        out_shape=jax.ShapeDtypeStruct((2 * n, 128), jnp.float32),
    )(feat, w1, dega, dega)


def _mm2_call(agg1, w2, b1r, dega, n):
    gm = n // _BM

    def body(a_ref, w_ref, b_ref, d0, d1, o_ref):
        k = pl.program_id(1)
        nd = _norm(d0[...], d1[...], 1)
        ns = _norm(d0[...], d1[...], 0)
        x = jnp.maximum(a_ref[...] * nd + b_ref[0], 0.0) * ns
        p = jnp.dot(x, w_ref[...], preferred_element_type=jnp.float32)

        @pl.when(k == 0)
        def _():
            o_ref[...] = p

        @pl.when(k > 0)
        def _():
            o_ref[...] += p

    return pl.pallas_call(
        body,
        grid=(gm, 2),
        in_specs=[
            pl.BlockSpec((_BM, 128), lambda i, k: (k * gm + i, 0)),
            pl.BlockSpec((128, 128), lambda i, k: (k, 0)),
            pl.BlockSpec((1, 1, 128), lambda i, k: (k, 0, 0)),
            pl.BlockSpec((_BM, 128), lambda i, k: (i, 0)),
            pl.BlockSpec((_BM, 128), lambda i, k: (gm + i, 0)),
        ],
        out_specs=pl.BlockSpec((_BM, 128), lambda i, k: (i, 0)),
        out_shape=jax.ShapeDtypeStruct((n, 128), jnp.float32),
    )(agg1, w2, b1r, dega, dega)


def _fin_call(agg2, b2r, dega, n):
    gm = n // _BM

    def body(a0_ref, a1_ref, d0, d1, b_ref, o_ref):
        nd = _norm(d0[...], d1[...], 1)
        o_ref[...] = jnp.maximum(
            (a0_ref[...] + a1_ref[...]) * nd + b_ref[...], 0.0)

    return pl.pallas_call(
        body,
        grid=(gm,),
        in_specs=[
            pl.BlockSpec((_BM, 128), lambda i: (i, 0)),
            pl.BlockSpec((_BM, 128), lambda i: (gm + i, 0)),
            pl.BlockSpec((_BM, 128), lambda i: (i, 0)),
            pl.BlockSpec((_BM, 128), lambda i: (gm + i, 0)),
            pl.BlockSpec((1, 128), lambda i: (0, 0)),
        ],
        out_specs=pl.BlockSpec((_BM, 128), lambda i: (i, 0)),
        out_shape=jax.ShapeDtypeStruct((n, 128), jnp.float32),
    )(agg2, agg2, dega, dega, b2r)


def kernel(feat, edge_index, W1, b1, W2, b2):
    n, in_dim = feat.shape
    e = edge_index.shape[1]
    hid = W1.shape[1]
    out_dim = W2.shape[1]
    assert (in_dim, hid, out_dim) == (128, 256, 128)
    assert e % (32 * _K) == 0 and n % _BM == 0 and n % (2 * _RCH) == 0

    src = edge_index[0]
    dst = edge_index[1]
    z128 = jnp.zeros((_RCH, 128), jnp.float32)
    o2 = jnp.zeros((2 * _K, 128), jnp.float32)
    o2 = o2.at[:_K, 0].set(1.0).at[_K:, 1].set(1.0)

    dega = _deg_call(src, dst, o2, z128, n)
    h1 = _mm1_call(feat, W1, dega, n)
    agg1 = _edge_call(src, dst, h1[:n], h1[n:], z128, n, True)
    h2 = _mm2_call(agg1, W2, b1.reshape(2, 1, 128), dega, n)
    agg2 = _edge_call(src, dst, h2, h2, z128, n, False)
    return _fin_call(agg2, b2.reshape(1, 128), dega, n)

# --- scband reference (transcript-rebuilt; emitter-appended) ---
"""Pipeline reference for scband-gcn-16312285790986 (READ-ONLY COPY).

The authoritative reference and input builder live on the scoring server;
editing this copy changes nothing except your own understanding.
"""

import jax, jax.numpy as jnp
import numpy as np

N = 10000
E = 320000
IN_DIM = 128
HID = 256
OUT_DIM = 128


def setup_inputs(seed: int = 0) -> dict:
    key = jax.random.key(seed)
    k1, k2, k3, k4, k5, k6 = jax.random.split(key, 6)
    feat = jax.random.normal(k1, (N, IN_DIM), dtype=jnp.float32)
    edge_index = jax.random.randint(k2, (2, E), 0, N, dtype=jnp.int32)
    # GraphConv weights (glorot-ish init)
    s1 = float(np.sqrt(6.0 / (IN_DIM + HID)))
    s2 = float(np.sqrt(6.0 / (HID + OUT_DIM)))
    W1 = jax.random.uniform(k3, (IN_DIM, HID), dtype=jnp.float32, minval=-s1, maxval=s1)
    b1 = jnp.zeros((HID,), dtype=jnp.float32)
    W2 = jax.random.uniform(k4, (HID, OUT_DIM), dtype=jnp.float32, minval=-s2, maxval=s2)
    b2 = jnp.zeros((OUT_DIM,), dtype=jnp.float32)
    return {"feat": feat, "edge_index": edge_index, "W1": W1, "b1": b1, "W2": W2, "b2": b2}


def _graph_conv(feat, edge_index, W, b):
    # DGL GraphConv with norm='both': D_dst^{-1/2} A D_src^{-1/2} X W + b
    src = edge_index[0]
    dst = edge_index[1]
    ones = jnp.ones((E,), dtype=jnp.float32)
    deg_out = jnp.zeros((N,), dtype=jnp.float32).at[src].add(ones)
    deg_in = jnp.zeros((N,), dtype=jnp.float32).at[dst].add(ones)
    norm_src = jnp.clip(deg_out, 1.0, None) ** (-0.5)
    norm_dst = jnp.clip(deg_in, 1.0, None) ** (-0.5)
    h = feat * norm_src[:, None]
    # in_dim >= out_dim path: multiply by W first, then aggregate
    h = h @ W
    msg = jnp.take(h, src, axis=0)
    agg = jnp.zeros((N, h.shape[1]), dtype=jnp.float32).at[dst].add(msg)
    agg = agg * norm_dst[:, None]
    return agg + b


def reference(feat, edge_index, W1, b1, W2, b2):
    h = jax.nn.relu(_graph_conv(feat, edge_index, W1, b1))
    h = jax.nn.relu(_graph_conv(h, edge_index, W2, b2))
    return h

if __name__ == "__main__":
    import jax
    _d = setup_inputs()
    print(jax.jit(kernel)(*tuple(_d.values())))

</pallas_src>

<mosaic_0001>
#map = affine_map<(d0, d1) -> (0)>
#map1 = affine_map<(d0, d1) -> (0, 0)>
module attributes {stable_mosaic.version = 14 : i64} {
  func.func @deg_kernel(%arg0: i32, %arg1: i32, %arg2: memref<320000xi32, #tpu.memory_space<hbm>>, %arg3: memref<320000xi32, #tpu.memory_space<hbm>>, %arg4: memref<160x128xf32, #tpu.memory_space<hbm>>, %arg5: memref<200x128xf32, #tpu.memory_space<hbm>>, %arg6: memref<20000x128xf32, #tpu.memory_space<hbm>>, %arg7: memref<80xi32, #tpu.memory_space<vmem>>, %arg8: memref<80xi32, #tpu.memory_space<vmem>>, %arg9: memref<80x128xf32, #tpu.memory_space<vmem>>, %arg10: memref<80x128xf32, #tpu.memory_space<vmem>>, %arg11: memref<200x128xf32, #tpu.memory_space<vmem>>, %arg12: memref<10000x128xf32, #tpu.memory_space<vmem_shared>>) attributes {dimension_semantics = [#tpu.dimension_semantics<core_parallel>, #tpu.dimension_semantics<subcore_parallel>], iteration_bounds = array<i64: 2, 16>, scalar_prefetch = 0 : i64, scratch_operands = 6 : i64, tpu.core_type = #tpu.core_type<sc_vector_subcore>, window_params = [{transform_indices = #map}, {transform_indices = #map}, {transform_indices = #map1}, {transform_indices = #map1}, {transform_indices = #map1}]} {
    "tpu.region"() ({
      %run_scoped3A = tpu.sem_alloc : memref<!tpu.dma_semaphore, #tpu.memory_space<semaphore_mem>>
      tpu.enqueue_dma source(%arg5 : memref<200x128xf32, #tpu.memory_space<hbm>>) target(%arg11 : memref<200x128xf32, #tpu.memory_space<vmem>>) target_semaphore(%run_scoped3A : memref<!tpu.dma_semaphore, #tpu.memory_space<semaphore_mem>>)
      tpu.wait_dma2 semaphore(%run_scoped3A : memref<!tpu.dma_semaphore, #tpu.memory_space<semaphore_mem>>) src(%arg5 : memref<200x128xf32, #tpu.memory_space<hbm>>) dst(%arg11 : memref<200x128xf32, #tpu.memory_space<vmem>>)
      tpu.yield
    }) : () -> ()
    "tpu.region"() ({
      %run_scoped3A = tpu.sem_alloc : memref<!tpu.dma_semaphore, #tpu.memory_space<semaphore_mem>>
      %dma_start3A = arith.constant 0 : i32
      %dma_start3A_16 = arith.constant 0 : i32
      %dma_start3A_17 = tpu.memref_slice %arg4[%dma_start3A, %dma_start3A_16] : memref<160x128xf32, #tpu.memory_space<hbm>> -> memref<80x128xf32, #tpu.memory_space<hbm>>
      %dma_start3A_18 = arith.constant 0 : i32
      %dma_start3A_19 = arith.constant 0 : i32
      %dma_start3A_20 = tpu.memref_slice %arg4[%dma_start3A_18, %dma_start3A_19] : memref<160x128xf32, #tpu.memory_space<hbm>> -> memref<80x128xf32, #tpu.memory_space<hbm>>
      tpu.enqueue_dma source(%dma_start3A_20 : memref<80x128xf32, #tpu.memory_space<hbm>>) target(%arg9 : memref<80x128xf32, #tpu.memory_space<vmem>>) target_semaphore(%run_scoped3A : memref<!tpu.dma_semaphore, #tpu.memory_space<semaphore_mem>>)
      %dma_wait3A = arith.constant 0 : i32
      %dma_wait3A_21 = arith.constant 0 : i32
      %dma_wait3A_22 = tpu.memref_slice %arg4[%dma_wait3A, %dma_wait3A_21] : memref<160x128xf32, #tpu.memory_space<hbm>> -> memref<80x128xf32, #tpu.memory_space<hbm>>
      %dma_wait3A_23 = arith.constant 0 : i32
      %dma_wait3A_24 = arith.constant 0 : i32
      %dma_wait3A_25 = tpu.memref_slice %arg4[%dma_wait3A_23, %dma_wait3A_24] : memref<160x128xf32, #tpu.memory_space<hbm>> -> memref<80x128xf32, #tpu.memory_space<hbm>>
      tpu.wait_dma2 semaphore(%run_scoped3A : memref<!tpu.dma_semaphore, #tpu.memory_space<semaphore_mem>>) src(%dma_wait3A_25 : memref<80x128xf32, #tpu.memory_space<hbm>>) dst(%arg9 : memref<80x128xf32, #tpu.memory_space<vmem>>)
      tpu.yield
    }) : () -> ()
    "tpu.region"() ({
      %run_scoped3A = tpu.sem_alloc : memref<!tpu.dma_semaphore, #tpu.memory_space<semaphore_mem>>
      %dma_start3A = arith.constant 80 : i32
      %dma_start3A_16 = arith.constant 0 : i32
      %dma_start3A_17 = tpu.memref_slice %arg4[%dma_start3A, %dma_start3A_16] : memref<160x128xf32, #tpu.memory_space<hbm>> -> memref<80x128xf32, #tpu.memory_space<hbm>>
      %dma_start3A_18 = arith.constant 80 : i32
      %dma_start3A_19 = arith.constant 0 : i32
      %dma_start3A_20 = tpu.memref_slice %arg4[%dma_start3A_18, %dma_start3A_19] : memref<160x128xf32, #tpu.memory_space<hbm>> -> memref<80x128xf32, #tpu.memory_space<hbm>>
      tpu.enqueue_dma source(%dma_start3A_20 : memref<80x128xf32, #tpu.memory_space<hbm>>) target(%arg10 : memref<80x128xf32, #tpu.memory_space<vmem>>) target_semaphore(%run_scoped3A : memref<!tpu.dma_semaphore, #tpu.memory_space<semaphore_mem>>)
      %dma_wait3A = arith.constant 80 : i32
      %dma_wait3A_21 = arith.constant 0 : i32
      %dma_wait3A_22 = tpu.memref_slice %arg4[%dma_wait3A, %dma_wait3A_21] : memref<160x128xf32, #tpu.memory_space<hbm>> -> memref<80x128xf32, #tpu.memory_space<hbm>>
      %dma_wait3A_23 = arith.constant 80 : i32
      %dma_wait3A_24 = arith.constant 0 : i32
      %dma_wait3A_25 = tpu.memref_slice %arg4[%dma_wait3A_23, %dma_wait3A_24] : memref<160x128xf32, #tpu.memory_space<hbm>> -> memref<80x128xf32, #tpu.memory_space<hbm>>
      tpu.wait_dma2 semaphore(%run_scoped3A : memref<!tpu.dma_semaphore, #tpu.memory_space<semaphore_mem>>) src(%dma_wait3A_25 : memref<80x128xf32, #tpu.memory_space<hbm>>) dst(%arg10 : memref<80x128xf32, #tpu.memory_space<vmem>>)
      tpu.yield
    }) : () -> ()
    %scan3A = arith.constant 0 : i32
    %scan3A_0 = arith.constant 4 : i32
    %scan3A_1 = arith.addi %scan3A, %scan3A_0 : i32
    %scan3A_2 = arith.constant 1 : i32
    scf.for %scan3A_16 = %scan3A to %scan3A_1 step %scan3A_2  : i32 {
      %mul3A_17 = arith.constant 1 : i32
      %mul3A_18 = arith.muli %scan3A_16, %mul3A_17 : i32
      %add3A_19 = arith.constant 0 : i32
      %add3A_20 = arith.addi %add3A_19, %mul3A_18 : i32
      %mul3A_21 = arith.constant 16 : i32
      %mul3A_22 = arith.muli %add3A_20, %mul3A_21 : i32
      %add3A_23 = arith.addi %arg1, %mul3A_22 : i32
      %lt3A = arith.constant 50 : i32
      %lt3A_24 = arith.cmpi slt, %add3A_23, %lt3A : i32
      %convert_element_type3A = arith.extui %lt3A_24 : i1 to i32
      %cond3A = arith.constant 0 : i32
      %cond3A_25 = arith.cmpi ne, %convert_element_type3A, %cond3A : i32
      scf.if %cond3A_25 {
        %mul3A_26 = arith.constant 200 : i32
        %mul3A_27 = arith.muli %add3A_23, %mul3A_26 : i32
        "tpu.region"() ({
          %run_scoped3A = tpu.sem_alloc : memref<!tpu.dma_semaphore, #tpu.memory_space<semaphore_mem>>
          %dma_start3A = arith.constant 0 : i32
          %dma_start3A_28 = tpu.memref_slice %arg12[%mul3A_27, %dma_start3A] : memref<10000x128xf32, #tpu.memory_space<vmem_shared>> -> memref<200x128xf32, #tpu.memory_space<vmem_shared>>
          %dma_start3A_29 = arith.constant 0 : i32
          %dma_start3A_30 = tpu.memref_slice %arg12[%mul3A_27, %dma_start3A_29] : memref<10000x128xf32, #tpu.memory_space<vmem_shared>> -> memref<200x128xf32, #tpu.memory_space<vmem_shared>>
          tpu.enqueue_dma source(%arg11 : memref<200x128xf32, #tpu.memory_space<vmem>>) target(%dma_start3A_30 : memref<200x128xf32, #tpu.memory_space<vmem_shared>>) target_semaphore(%run_scoped3A : memref<!tpu.dma_semaphore, #tpu.memory_space<semaphore_mem>>)
          %dma_wait3A = arith.constant 0 : i32
          %dma_wait3A_31 = tpu.memref_slice %arg12[%mul3A_27, %dma_wait3A] : memref<10000x128xf32, #tpu.memory_space<vmem_shared>> -> memref<200x128xf32, #tpu.memory_space<vmem_shared>>
          %dma_wait3A_32 = arith.constant 0 : i32
          %dma_wait3A_33 = tpu.memref_slice %arg12[%mul3A_27, %dma_wait3A_32] : memref<10000x128xf32, #tpu.memory_space<vmem_shared>> -> memref<200x128xf32, #tpu.memory_space<vmem_shared>>
          tpu.wait_dma2 semaphore(%run_scoped3A : memref<!tpu.dma_semaphore, #tpu.memory_space<semaphore_mem>>) src(%arg11 : memref<200x128xf32, #tpu.memory_space<vmem>>) dst(%dma_wait3A_33 : memref<200x128xf32, #tpu.memory_space<vmem_shared>>)
          tpu.yield
        }) : () -> ()
      } else {
      }
    }
    %scan3A_3 = arith.constant 4 : i32
    %barrier3A = arith.constant 0 : index
    tpu.barrier barrier_id(%barrier3A)
    %mul3A = arith.constant 16 : i32
    %mul3A_4 = arith.muli %arg0, %mul3A : i32
    %add3A = arith.addi %mul3A_4, %arg1 : i32
    %scan3A_5 = arith.constant 0 : i32
    %scan3A_6 = arith.constant 125 : i32
    %scan3A_7 = arith.addi %scan3A_5, %scan3A_6 : i32
    %scan3A_8 = arith.constant 1 : i32
    scf.for %scan3A_16 = %scan3A_5 to %scan3A_7 step %scan3A_8  : i32 {
      %mul3A_17 = arith.constant 1 : i32
      %mul3A_18 = arith.muli %scan3A_16, %mul3A_17 : i32
      %add3A_19 = arith.constant 0 : i32
      %add3A_20 = arith.addi %add3A_19, %mul3A_18 : i32
      %mul3A_21 = arith.constant 125 : i32
      %mul3A_22 = arith.muli %add3A, %mul3A_21 : i32
      %add3A_23 = arith.addi %mul3A_22, %add3A_20 : i32
      %mul3A_24 = arith.constant 80 : i32
      %mul3A_25 = arith.muli %add3A_23, %mul3A_24 : i32
      "tpu.region"() ({
        %run_scoped3A = tpu.sem_alloc : memref<!tpu.dma_semaphore, #tpu.memory_space<semaphore_mem>>
        %dma_start3A = tpu.memref_slice %arg2[%mul3A_25] : memref<320000xi32, #tpu.memory_space<hbm>> -> memref<80xi32, #tpu.memory_space<hbm>>
        %dma_start3A_26 = tpu.memref_slice %arg2[%mul3A_25] : memref<320000xi32, #tpu.memory_space<hbm>> -> memref<80xi32, #tpu.memory_space<hbm>>
        tpu.enqueue_dma source(%dma_start3A_26 : memref<80xi32, #tpu.memory_space<hbm>>) target(%arg7 : memref<80xi32, #tpu.memory_space<vmem>>) target_semaphore(%run_scoped3A : memref<!tpu.dma_semaphore, #tpu.memory_space<semaphore_mem>>)
        %dma_wait3A = tpu.memref_slice %arg2[%mul3A_25] : memref<320000xi32, #tpu.memory_space<hbm>> -> memref<80xi32, #tpu.memory_space<hbm>>
        %dma_wait3A_27 = tpu.memref_slice %arg2[%mul3A_25] : memref<320000xi32, #tpu.memory_space<hbm>> -> memref<80xi32, #tpu.memory_space<hbm>>
        tpu.wait_dma2 semaphore(%run_scoped3A : memref<!tpu.dma_semaphore, #tpu.memory_space<semaphore_mem>>) src(%dma_wait3A_27 : memref<80xi32, #tpu.memory_space<hbm>>) dst(%arg7 : memref<80xi32, #tpu.memory_space<vmem>>)
        tpu.yield
      }) : () -> ()
      "tpu.region"() ({
        %run_scoped3A = tpu.sem_alloc : memref<!tpu.dma_semaphore, #tpu.memory_space<semaphore_mem>>
        %dma_start3A = arith.constant 0 : i32
        %dma_start3A_26 = arith.constant 0 : i32
        %dma_start3A_27 = tpu.memref_slice %arg12[%dma_start3A, %dma_start3A_26] : memref<10000x128xf32, #tpu.memory_space<vmem_shared>> -> memref<10000x128xf32, #tpu.memory_space<vmem_shared>>
        tpu.enqueue_indirect_dma source(%arg9 : memref<80x128xf32, #tpu.memory_space<vmem>>) target(%dma_start3A_27 : memref<10000x128xf32, #tpu.memory_space<vmem_shared>>) offsets(%arg7 : memref<80xi32, #tpu.memory_space<vmem>>) semaphore(%run_scoped3A : memref<!tpu.dma_semaphore, #tpu.memory_space<semaphore_mem>>) {add = true}
        %dma_wait3A = arith.constant 0 : i32
        %dma_wait3A_28 = arith.constant 0 : i32
        %dma_wait3A_29 = tpu.memref_slice %arg12[%dma_wait3A, %dma_wait3A_28] : memref<10000x128xf32, #tpu.memory_space<vmem_shared>> -> memref<10000x128xf32, #tpu.memory_space<vmem_shared>>
        tpu.wait_indirect_dma semaphore(%run_scoped3A : memref<!tpu.dma_semaphore, #tpu.memory_space<semaphore_mem>>) src(%arg9 : memref<80x128xf32, #tpu.memory_space<vmem>>) dst(%dma_wait3A_29 : memref<10000x128xf32, #tpu.memory_space<vmem_shared>>)
        tpu.yield
      }) : () -> ()
      "tpu.region"() ({
        %run_scoped3A = tpu.sem_alloc : memref<!tpu.dma_semaphore, #tpu.memory_space<semaphore_mem>>
        %dma_start3A = tpu.memref_slice %arg3[%mul3A_25] : memref<320000xi32, #tpu.memory_space<hbm>> -> memref<80xi32, #tpu.memory_space<hbm>>
        %dma_start3A_26 = tpu.memref_slice %arg3[%mul3A_25] : memref<320000xi32, #tpu.memory_space<hbm>> -> memref<80xi32, #tpu.memory_space<hbm>>
        tpu.enqueue_dma source(%dma_start3A_26 : memref<80xi32, #tpu.memory_space<hbm>>) target(%arg8 : memref<80xi32, #tpu.memory_space<vmem>>) target_semaphore(%run_scoped3A : memref<!tpu.dma_semaphore, #tpu.memory_space<semaphore_mem>>)
        %dma_wait3A = tpu.memref_slice %arg3[%mul3A_25] : memref<320000xi32, #tpu.memory_space<hbm>> -> memref<80xi32, #tpu.memory_space<hbm>>
        %dma_wait3A_27 = tpu.memref_slice %arg3[%mul3A_25] : memref<320000xi32, #tpu.memory_space<hbm>> -> memref<80xi32, #tpu.memory_space<hbm>>
        tpu.wait_dma2 semaphore(%run_scoped3A : memref<!tpu.dma_semaphore, #tpu.memory_space<semaphore_mem>>) src(%dma_wait3A_27 : memref<80xi32, #tpu.memory_space<hbm>>) dst(%arg8 : memref<80xi32, #tpu.memory_space<vmem>>)
        tpu.yield
      }) : () -> ()
      "tpu.region"() ({
        %run_scoped3A = tpu.sem_alloc : memref<!tpu.dma_semaphore, #tpu.memory_space<semaphore_mem>>
        %dma_start3A = arith.constant 0 : i32
        %dma_start3A_26 = arith.constant 0 : i32
        %dma_start3A_27 = tpu.memref_slice %arg12[%dma_start3A, %dma_start3A_26] : memref<10000x128xf32, #tpu.memory_space<vmem_shared>> -> memref<10000x128xf32, #tpu.memory_space<vmem_shared>>
        tpu.enqueue_indirect_dma source(%arg10 : memref<80x128xf32, #tpu.memory_space<vmem>>) target(%dma_start3A_27 : memref<10000x128xf32, #tpu.memory_space<vmem_shared>>) offsets(%arg8 : memref<80xi32, #tpu.memory_space<vmem>>) semaphore(%run_scoped3A : memref<!tpu.dma_semaphore, #tpu.memory_space<semaphore_mem>>) {add = true}
        %dma_wait3A = arith.constant 0 : i32
        %dma_wait3A_28 = arith.constant 0 : i32
        %dma_wait3A_29 = tpu.memref_slice %arg12[%dma_wait3A, %dma_wait3A_28] : memref<10000x128xf32, #tpu.memory_space<vmem_shared>> -> memref<10000x128xf32, #tpu.memory_space<vmem_shared>>
        tpu.wait_indirect_dma semaphore(%run_scoped3A : memref<!tpu.dma_semaphore, #tpu.memory_space<semaphore_mem>>) src(%arg10 : memref<80x128xf32, #tpu.memory_space<vmem>>) dst(%dma_wait3A_29 : memref<10000x128xf32, #tpu.memory_space<vmem_shared>>)
        tpu.yield
      }) : () -> ()
    }
    %scan3A_9 = arith.constant 125 : i32
    %barrier3A_10 = arith.constant 0 : index
    tpu.barrier barrier_id(%barrier3A_10)
    %scan3A_11 = arith.constant 0 : i32
    %scan3A_12 = arith.constant 4 : i32
    %scan3A_13 = arith.addi %scan3A_11, %scan3A_12 : i32
    %scan3A_14 = arith.constant 1 : i32
    scf.for %scan3A_16 = %scan3A_11 to %scan3A_13 step %scan3A_14  : i32 {
      %mul3A_17 = arith.constant 1 : i32
      %mul3A_18 = arith.muli %scan3A_16, %mul3A_17 : i32
      %add3A_19 = arith.constant 0 : i32
      %add3A_20 = arith.addi %add3A_19, %mul3A_18 : i32
      %mul3A_21 = arith.constant 16 : i32
      %mul3A_22 = arith.muli %add3A_20, %mul3A_21 : i32
      %add3A_23 = arith.addi %arg1, %mul3A_22 : i32
      %lt3A = arith.constant 50 : i32
      %lt3A_24 = arith.cmpi slt, %add3A_23, %lt3A : i32
      %convert_element_type3A = arith.extui %lt3A_24 : i1 to i32
      %cond3A = arith.constant 0 : i32
      %cond3A_25 = arith.cmpi ne, %convert_element_type3A, %cond3A : i32
      scf.if %cond3A_25 {
        %mul3A_26 = arith.constant 200 : i32
        %mul3A_27 = arith.muli %add3A_23, %mul3A_26 : i32
        "tpu.region"() ({
          %run_scoped3A = tpu.sem_alloc : memref<!tpu.dma_semaphore, #tpu.memory_space<semaphore_mem>>
          %dma_start3A = arith.constant 0 : i32
          %dma_start3A_31 = tpu.memref_slice %arg12[%mul3A_27, %dma_start3A] : memref<10000x128xf32, #tpu.memory_space<vmem_shared>> -> memref<200x128xf32, #tpu.memory_space<vmem_shared>>
          %dma_start3A_32 = arith.constant 0 : i32
          %dma_start3A_33 = tpu.memref_slice %arg12[%mul3A_27, %dma_start3A_32] : memref<10000x128xf32, #tpu.memory_space<vmem_shared>> -> memref<200x128xf32, #tpu.memory_space<vmem_shared>>
          tpu.enqueue_dma source(%dma_start3A_33 : memref<200x128xf32, #tpu.memory_space<vmem_shared>>) target(%arg11 : memref<200x128xf32, #tpu.memory_space<vmem>>) target_semaphore(%run_scoped3A : memref<!tpu.dma_semaphore, #tpu.memory_space<semaphore_mem>>)
          %dma_wait3A = arith.constant 0 : i32
          %dma_wait3A_34 = tpu.memref_slice %arg12[%mul3A_27, %dma_wait3A] : memref<10000x128xf32, #tpu.memory_space<vmem_shared>> -> memref<200x128xf32, #tpu.memory_space<vmem_shared>>
          %dma_wait3A_35 = arith.constant 0 : i32
          %dma_wait3A_36 = tpu.memref_slice %arg12[%mul3A_27, %dma_wait3A_35] : memref<10000x128xf32, #tpu.memory_space<vmem_shared>> -> memref<200x128xf32, #tpu.memory_space<vmem_shared>>
          tpu.wait_dma2 semaphore(%run_scoped3A : memref<!tpu.dma_semaphore, #tpu.memory_space<semaphore_mem>>) src(%dma_wait3A_36 : memref<200x128xf32, #tpu.memory_space<vmem_shared>>) dst(%arg11 : memref<200x128xf32, #tpu.memory_space<vmem>>)
          tpu.yield
        }) : () -> ()
        %mul3A_28 = arith.constant 10000 : i32
        %mul3A_29 = arith.muli %arg0, %mul3A_28 : i32
        %add3A_30 = arith.addi %mul3A_29, %mul3A_27 : i32
        "tpu.region"() ({
          %run_scoped3A = tpu.sem_alloc : memref<!tpu.dma_semaphore, #tpu.memory_space<semaphore_mem>>
          %dma_start3A = arith.constant 0 : i32
          %dma_start3A_31 = tpu.memref_slice %arg6[%add3A_30, %dma_start3A] : memref<20000x128xf32, #tpu.memory_space<hbm>> -> memref<200x128xf32, #tpu.memory_space<hbm>>
          %dma_start3A_32 = arith.constant 0 : i32
          %dma_start3A_33 = tpu.memref_slice %arg6[%add3A_30, %dma_start3A_32] : memref<20000x128xf32, #tpu.memory_space<hbm>> -> memref<200x128xf32, #tpu.memory_space<hbm>>
          tpu.enqueue_dma source(%arg11 : memref<200x128xf32, #tpu.memory_space<vmem>>) target(%dma_start3A_33 : memref<200x128xf32, #tpu.memory_space<hbm>>) target_semaphore(%run_scoped3A : memref<!tpu.dma_semaphore, #tpu.memory_space<semaphore_mem>>)
          %dma_wait3A = arith.constant 0 : i32
          %dma_wait3A_34 = tpu.memref_slice %arg6[%add3A_30, %dma_wait3A] : memref<20000x128xf32, #tpu.memory_space<hbm>> -> memref<200x128xf32, #tpu.memory_space<hbm>>
          %dma_wait3A_35 = arith.constant 0 : i32
          %dma_wait3A_36 = tpu.memref_slice %arg6[%add3A_30, %dma_wait3A_35] : memref<20000x128xf32, #tpu.memory_space<hbm>> -> memref<200x128xf32, #tpu.memory_space<hbm>>
          tpu.wait_dma2 semaphore(%run_scoped3A : memref<!tpu.dma_semaphore, #tpu.memory_space<semaphore_mem>>) src(%arg11 : memref<200x128xf32, #tpu.memory_space<vmem>>) dst(%dma_wait3A_36 : memref<200x128xf32, #tpu.memory_space<hbm>>)
          tpu.yield
        }) : () -> ()
      } else {
      }
    }
    %scan3A_15 = arith.constant 4 : i32
    return
  }
}

#map = affine_map<(d0, d1) -> (0)>
#map1 = affine_map<(d0, d1) -> (0, 0)>
module attributes {stable_mosaic.version = 14 : i64} {
  func.func @edge_kernel(%arg0: i32, %arg1: i32, %arg2: memref<320000xi32, #tpu.memory_space<hbm>>, %arg3: memref<320000xi32, #tpu.memory_space<hbm>>, %arg4: memref<10000x128xf32, #tpu.memory_space<hbm>>, %arg5: memref<10000x128xf32, #tpu.memory_space<hbm>>, %arg6: memref<200x128xf32, #tpu.memory_space<hbm>>, %arg7: memref<20000x128xf32, #tpu.memory_space<hbm>>, %arg8: memref<80xi32, #tpu.memory_space<vmem>>, %arg9: memref<80xi32, #tpu.memory_space<vmem>>, %arg10: memref<80x128xf32, #tpu.memory_space<vmem>>, %arg11: memref<200x128xf32, #tpu.memory_space<vmem>>, %arg12: memref<10000x128xf32, #tpu.memory_space<vmem_shared>>, %arg13: memref<!tpu.dma_semaphore, #tpu.memory_space<semaphore_mem>>) attributes {dimension_semantics = [#tpu.dimension_semantics<core_parallel>, #tpu.dimension_semantics<subcore_parallel>], iteration_bounds = array<i64: 2, 16>, scalar_prefetch = 0 : i64, scratch_operands = 6 : i64, tpu.core_type = #tpu.core_type<sc_vector_subcore>, window_params = [{transform_indices = #map}, {transform_indices = #map}, {transform_indices = #map1}, {transform_indices = #map1}, {transform_indices = #map1}, {transform_indices = #map1}]} {
    "tpu.region"() ({
      %run_scoped3A = tpu.sem_alloc : memref<!tpu.dma_semaphore, #tpu.memory_space<semaphore_mem>>
      tpu.enqueue_dma source(%arg6 : memref<200x128xf32, #tpu.memory_space<hbm>>) target(%arg11 : memref<200x128xf32, #tpu.memory_space<vmem>>) target_semaphore(%run_scoped3A : memref<!tpu.dma_semaphore, #tpu.memory_space<semaphore_mem>>)
      tpu.wait_dma2 semaphore(%run_scoped3A : memref<!tpu.dma_semaphore, #tpu.memory_space<semaphore_mem>>) src(%arg6 : memref<200x128xf32, #tpu.memory_space<hbm>>) dst(%arg11 : memref<200x128xf32, #tpu.memory_space<vmem>>)
      tpu.yield
    }) : () -> ()
    %scan3A = arith.constant 0 : i32
    %scan3A_0 = arith.constant 4 : i32
    %scan3A_1 = arith.addi %scan3A, %scan3A_0 : i32
    %scan3A_2 = arith.constant 1 : i32
    scf.for %scan3A_16 = %scan3A to %scan3A_1 step %scan3A_2  : i32 {
      %mul3A_17 = arith.constant 1 : i32
      %mul3A_18 = arith.muli %scan3A_16, %mul3A_17 : i32
      %add3A = arith.constant 0 : i32
      %add3A_19 = arith.addi %add3A, %mul3A_18 : i32
      %mul3A_20 = arith.constant 16 : i32
      %mul3A_21 = arith.muli %add3A_19, %mul3A_20 : i32
      %add3A_22 = arith.addi %arg1, %mul3A_21 : i32
      %lt3A = arith.constant 50 : i32
      %lt3A_23 = arith.cmpi slt, %add3A_22, %lt3A : i32
      %convert_element_type3A = arith.extui %lt3A_23 : i1 to i32
      %cond3A = arith.constant 0 : i32
      %cond3A_24 = arith.cmpi ne, %convert_element_type3A, %cond3A : i32
      scf.if %cond3A_24 {
        %mul3A_25 = arith.constant 200 : i32
        %mul3A_26 = arith.muli %add3A_22, %mul3A_25 : i32
        "tpu.region"() ({
          %run_scoped3A = tpu.sem_alloc : memref<!tpu.dma_semaphore, #tpu.memory_space<semaphore_mem>>
          %dma_start3A = arith.constant 0 : i32
          %dma_start3A_27 = tpu.memref_slice %arg12[%mul3A_26, %dma_start3A] : memref<10000x128xf32, #tpu.memory_space<vmem_shared>> -> memref<200x128xf32, #tpu.memory_space<vmem_shared>>
          %dma_start3A_28 = arith.constant 0 : i32
          %dma_start3A_29 = tpu.memref_slice %arg12[%mul3A_26, %dma_start3A_28] : memref<10000x128xf32, #tpu.memory_space<vmem_shared>> -> memref<200x128xf32, #tpu.memory_space<vmem_shared>>
          tpu.enqueue_dma source(%arg11 : memref<200x128xf32, #tpu.memory_space<vmem>>) target(%dma_start3A_29 : memref<200x128xf32, #tpu.memory_space<vmem_shared>>) target_semaphore(%run_scoped3A : memref<!tpu.dma_semaphore, #tpu.memory_space<semaphore_mem>>)
          %dma_wait3A = arith.constant 0 : i32
          %dma_wait3A_30 = tpu.memref_slice %arg12[%mul3A_26, %dma_wait3A] : memref<10000x128xf32, #tpu.memory_space<vmem_shared>> -> memref<200x128xf32, #tpu.memory_space<vmem_shared>>
          %dma_wait3A_31 = arith.constant 0 : i32
          %dma_wait3A_32 = tpu.memref_slice %arg12[%mul3A_26, %dma_wait3A_31] : memref<10000x128xf32, #tpu.memory_space<vmem_shared>> -> memref<200x128xf32, #tpu.memory_space<vmem_shared>>
          tpu.wait_dma2 semaphore(%run_scoped3A : memref<!tpu.dma_semaphore, #tpu.memory_space<semaphore_mem>>) src(%arg11 : memref<200x128xf32, #tpu.memory_space<vmem>>) dst(%dma_wait3A_32 : memref<200x128xf32, #tpu.memory_space<vmem_shared>>)
          tpu.yield
        }) : () -> ()
      } else {
      }
    }
    %scan3A_3 = arith.constant 4 : i32
    %barrier3A = arith.constant 0 : index
    tpu.barrier barrier_id(%barrier3A)
    %mul3A = arith.constant 250 : i32
    %mul3A_4 = arith.muli %arg1, %mul3A : i32
    %scan3A_5 = arith.constant 0 : i32
    %scan3A_6 = arith.constant 250 : i32
    %scan3A_7 = arith.addi %scan3A_5, %scan3A_6 : i32
    %scan3A_8 = arith.constant 1 : i32
    scf.for %scan3A_16 = %scan3A_5 to %scan3A_7 step %scan3A_8  : i32 {
      %mul3A_17 = arith.constant 1 : i32
      %mul3A_18 = arith.muli %scan3A_16, %mul3A_17 : i32
      %add3A = arith.constant 0 : i32
      %add3A_19 = arith.addi %add3A, %mul3A_18 : i32
      %add3A_20 = arith.addi %mul3A_4, %add3A_19 : i32
      %mul3A_21 = arith.constant 80 : i32
      %mul3A_22 = arith.muli %add3A_20, %mul3A_21 : i32
      "tpu.region"() ({
        %run_scoped3A = tpu.sem_alloc : memref<!tpu.dma_semaphore, #tpu.memory_space<semaphore_mem>>
        %dma_start3A = tpu.memref_slice %arg2[%mul3A_22] : memref<320000xi32, #tpu.memory_space<hbm>> -> memref<80xi32, #tpu.memory_space<hbm>>
        %dma_start3A_30 = tpu.memref_slice %arg2[%mul3A_22] : memref<320000xi32, #tpu.memory_space<hbm>> -> memref<80xi32, #tpu.memory_space<hbm>>
        tpu.enqueue_dma source(%dma_start3A_30 : memref<80xi32, #tpu.memory_space<hbm>>) target(%arg8 : memref<80xi32, #tpu.memory_space<vmem>>) target_semaphore(%run_scoped3A : memref<!tpu.dma_semaphore, #tpu.memory_space<semaphore_mem>>)
        %dma_wait3A = tpu.memref_slice %arg2[%mul3A_22] : memref<320000xi32, #tpu.memory_space<hbm>> -> memref<80xi32, #tpu.memory_space<hbm>>
        %dma_wait3A_31 = tpu.memref_slice %arg2[%mul3A_22] : memref<320000xi32, #tpu.memory_space<hbm>> -> memref<80xi32, #tpu.memory_space<hbm>>
        tpu.wait_dma2 semaphore(%run_scoped3A : memref<!tpu.dma_semaphore, #tpu.memory_space<semaphore_mem>>) src(%dma_wait3A_31 : memref<80xi32, #tpu.memory_space<hbm>>) dst(%arg8 : memref<80xi32, #tpu.memory_space<vmem>>)
        tpu.yield
      }) : () -> ()
      %eq3A = arith.constant 0 : i32
      %eq3A_23 = arith.cmpi eq, %arg0, %eq3A : i32
      %convert_element_type3A = arith.extui %eq3A_23 : i1 to i32
      %cond3A = arith.constant 0 : i32
      %cond3A_24 = arith.cmpi ne, %convert_element_type3A, %cond3A : i32
      scf.if %cond3A_24 {
        %dma_start3A = arith.constant 0 : i32
        %dma_start3A_30 = arith.constant 0 : i32
        %dma_start3A_31 = tpu.memref_slice %arg4[%dma_start3A, %dma_start3A_30] : memref<10000x128xf32, #tpu.memory_space<hbm>> -> memref<10000x128xf32, #tpu.memory_space<hbm>>
        tpu.enqueue_indirect_dma source(%dma_start3A_31 : memref<10000x128xf32, #tpu.memory_space<hbm>>) target(%arg10 : memref<80x128xf32, #tpu.memory_space<vmem>>) offsets(%arg8 : memref<80xi32, #tpu.memory_space<vmem>>) semaphore(%arg13 : memref<!tpu.dma_semaphore, #tpu.memory_space<semaphore_mem>>)
        "tpu.region"() ({
          %run_scoped3A = tpu.sem_alloc : memref<!tpu.dma_semaphore, #tpu.memory_space<semaphore_mem>>
          %dma_start3A_34 = tpu.memref_slice %arg3[%mul3A_22] : memref<320000xi32, #tpu.memory_space<hbm>> -> memref<80xi32, #tpu.memory_space<hbm>>
          %dma_start3A_35 = tpu.memref_slice %arg3[%mul3A_22] : memref<320000xi32, #tpu.memory_space<hbm>> -> memref<80xi32, #tpu.memory_space<hbm>>
          tpu.enqueue_dma source(%dma_start3A_35 : memref<80xi32, #tpu.memory_space<hbm>>) target(%arg9 : memref<80xi32, #tpu.memory_space<vmem>>) target_semaphore(%run_scoped3A : memref<!tpu.dma_semaphore, #tpu.memory_space<semaphore_mem>>)
          %dma_wait3A_36 = tpu.memref_slice %arg3[%mul3A_22] : memref<320000xi32, #tpu.memory_space<hbm>> -> memref<80xi32, #tpu.memory_space<hbm>>
          %dma_wait3A_37 = tpu.memref_slice %arg3[%mul3A_22] : memref<320000xi32, #tpu.memory_space<hbm>> -> memref<80xi32, #tpu.memory_space<hbm>>
          tpu.wait_dma2 semaphore(%run_scoped3A : memref<!tpu.dma_semaphore, #tpu.memory_space<semaphore_mem>>) src(%dma_wait3A_37 : memref<80xi32, #tpu.memory_space<hbm>>) dst(%arg9 : memref<80xi32, #tpu.memory_space<vmem>>)
          tpu.yield
        }) : () -> ()
        %dma_wait3A = arith.constant 0 : i32
        %dma_wait3A_32 = arith.constant 0 : i32
        %dma_wait3A_33 = tpu.memref_slice %arg4[%dma_wait3A, %dma_wait3A_32] : memref<10000x128xf32, #tpu.memory_space<hbm>> -> memref<10000x128xf32, #tpu.memory_space<hbm>>
        tpu.wait_indirect_dma semaphore(%arg13 : memref<!tpu.dma_semaphore, #tpu.memory_space<semaphore_mem>>) src(%dma_wait3A_33 : memref<10000x128xf32, #tpu.memory_space<hbm>>) dst(%arg10 : memref<80x128xf32, #tpu.memory_space<vmem>>)
      } else {
      }
      %eq3A_25 = arith.constant 1 : i32
      %eq3A_26 = arith.cmpi eq, %arg0, %eq3A_25 : i32
      %convert_element_type3A_27 = arith.extui %eq3A_26 : i1 to i32
      %cond3A_28 = arith.constant 0 : i32
      %cond3A_29 = arith.cmpi ne, %convert_element_type3A_27, %cond3A_28 : i32
      scf.if %cond3A_29 {
        %dma_start3A = arith.constant 0 : i32
        %dma_start3A_30 = arith.constant 0 : i32
        %dma_start3A_31 = tpu.memref_slice %arg5[%dma_start3A, %dma_start3A_30] : memref<10000x128xf32, #tpu.memory_space<hbm>> -> memref<10000x128xf32, #tpu.memory_space<hbm>>
        tpu.enqueue_indirect_dma source(%dma_start3A_31 : memref<10000x128xf32, #tpu.memory_space<hbm>>) target(%arg10 : memref<80x128xf32, #tpu.memory_space<vmem>>) offsets(%arg8 : memref<80xi32, #tpu.memory_space<vmem>>) semaphore(%arg13 : memref<!tpu.dma_semaphore, #tpu.memory_space<semaphore_mem>>)
        "tpu.region"() ({
          %run_scoped3A = tpu.sem_alloc : memref<!tpu.dma_semaphore, #tpu.memory_space<semaphore_mem>>
          %dma_start3A_34 = tpu.memref_slice %arg3[%mul3A_22] : memref<320000xi32, #tpu.memory_space<hbm>> -> memref<80xi32, #tpu.memory_space<hbm>>
          %dma_start3A_35 = tpu.memref_slice %arg3[%mul3A_22] : memref<320000xi32, #tpu.memory_space<hbm>> -> memref<80xi32, #tpu.memory_space<hbm>>
          tpu.enqueue_dma source(%dma_start3A_35 : memref<80xi32, #tpu.memory_space<hbm>>) target(%arg9 : memref<80xi32, #tpu.memory_space<vmem>>) target_semaphore(%run_scoped3A : memref<!tpu.dma_semaphore, #tpu.memory_space<semaphore_mem>>)
          %dma_wait3A_36 = tpu.memref_slice %arg3[%mul3A_22] : memref<320000xi32, #tpu.memory_space<hbm>> -> memref<80xi32, #tpu.memory_space<hbm>>
          %dma_wait3A_37 = tpu.memref_slice %arg3[%mul3A_22] : memref<320000xi32, #tpu.memory_space<hbm>> -> memref<80xi32, #tpu.memory_space<hbm>>
          tpu.wait_dma2 semaphore(%run_scoped3A : memref<!tpu.dma_semaphore, #tpu.memory_space<semaphore_mem>>) src(%dma_wait3A_37 : memref<80xi32, #tpu.memory_space<hbm>>) dst(%arg9 : memref<80xi32, #tpu.memory_space<vmem>>)
          tpu.yield
        }) : () -> ()
        %dma_wait3A = arith.constant 0 : i32
        %dma_wait3A_32 = arith.constant 0 : i32
        %dma_wait3A_33 = tpu.memref_slice %arg5[%dma_wait3A, %dma_wait3A_32] : memref<10000x128xf32, #tpu.memory_space<hbm>> -> memref<10000x128xf32, #tpu.memory_space<hbm>>
        tpu.wait_indirect_dma semaphore(%arg13 : memref<!tpu.dma_semaphore, #tpu.memory_space<semaphore_mem>>) src(%dma_wait3A_33 : memref<10000x128xf32, #tpu.memory_space<hbm>>) dst(%arg10 : memref<80x128xf32, #tpu.memory_space<vmem>>)
      } else {
      }
      "tpu.region"() ({
        %run_scoped3A = tpu.sem_alloc : memref<!tpu.dma_semaphore, #tpu.memory_space<semaphore_mem>>
        %dma_start3A = arith.constant 0 : i32
        %dma_start3A_30 = arith.constant 0 : i32
        %dma_start3A_31 = tpu.memref_slice %arg12[%dma_start3A, %dma_start3A_30] : memref<10000x128xf32, #tpu.memory_space<vmem_shared>> -> memref<10000x128xf32, #tpu.memory_space<vmem_shared>>
        tpu.enqueue_indirect_dma source(%arg10 : memref<80x128xf32, #tpu.memory_space<vmem>>) target(%dma_start3A_31 : memref<10000x128xf32, #tpu.memory_space<vmem_shared>>) offsets(%arg9 : memref<80xi32, #tpu.memory_space<vmem>>) semaphore(%run_scoped3A : memref<!tpu.dma_semaphore, #tpu.memory_space<semaphore_mem>>) {add = true}
        %dma_wait3A = arith.constant 0 : i32
        %dma_wait3A_32 = arith.constant 0 : i32
        %dma_wait3A_33 = tpu.memref_slice %arg12[%dma_wait3A, %dma_wait3A_32] : memref<10000x128xf32, #tpu.memory_space<vmem_shared>> -> memref<10000x128xf32, #tpu.memory_space<vmem_shared>>
        tpu.wait_indirect_dma semaphore(%run_scoped3A : memref<!tpu.dma_semaphore, #tpu.memory_space<semaphore_mem>>) src(%arg10 : memref<80x128xf32, #tpu.memory_space<vmem>>) dst(%dma_wait3A_33 : memref<10000x128xf32, #tpu.memory_space<vmem_shared>>)
        tpu.yield
      }) : () -> ()
    }
    %scan3A_9 = arith.constant 250 : i32
    %barrier3A_10 = arith.constant 0 : index
    tpu.barrier barrier_id(%barrier3A_10)
    %scan3A_11 = arith.constant 0 : i32
    %scan3A_12 = arith.constant 4 : i32
    %scan3A_13 = arith.addi %scan3A_11, %scan3A_12 : i32
    %scan3A_14 = arith.constant 1 : i32
    scf.for %scan3A_16 = %scan3A_11 to %scan3A_13 step %scan3A_14  : i32 {
      %mul3A_17 = arith.constant 1 : i32
      %mul3A_18 = arith.muli %scan3A_16, %mul3A_17 : i32
      %add3A = arith.constant 0 : i32
      %add3A_19 = arith.addi %add3A, %mul3A_18 : i32
      %mul3A_20 = arith.constant 16 : i32
      %mul3A_21 = arith.muli %add3A_19, %mul3A_20 : i32
      %add3A_22 = arith.addi %arg1, %mul3A_21 : i32
      %lt3A = arith.constant 50 : i32
      %lt3A_23 = arith.cmpi slt, %add3A_22, %lt3A : i32
      %convert_element_type3A = arith.extui %lt3A_23 : i1 to i32
      %cond3A = arith.constant 0 : i32
      %cond3A_24 = arith.cmpi ne, %convert_element_type3A, %cond3A : i32
      scf.if %cond3A_24 {
        %mul3A_25 = arith.constant 200 : i32
        %mul3A_26 = arith.muli %add3A_22, %mul3A_25 : i32
        "tpu.region"() ({
          %run_scoped3A = tpu.sem_alloc : memref<!tpu.dma_semaphore, #tpu.memory_space<semaphore_mem>>
          %dma_start3A = arith.constant 0 : i32
          %dma_start3A_30 = tpu.memref_slice %arg12[%mul3A_26, %dma_start3A] : memref<10000x128xf32, #tpu.memory_space<vmem_shared>> -> memref<200x128xf32, #tpu.memory_space<vmem_shared>>
          %dma_start3A_31 = arith.constant 0 : i32
          %dma_start3A_32 = tpu.memref_slice %arg12[%mul3A_26, %dma_start3A_31] : memref<10000x128xf32, #tpu.memory_space<vmem_shared>> -> memref<200x128xf32, #tpu.memory_space<vmem_shared>>
          tpu.enqueue_dma source(%dma_start3A_32 : memref<200x128xf32, #tpu.memory_space<vmem_shared>>) target(%arg11 : memref<200x128xf32, #tpu.memory_space<vmem>>) target_semaphore(%run_scoped3A : memref<!tpu.dma_semaphore, #tpu.memory_space<semaphore_mem>>)
          %dma_wait3A = arith.constant 0 : i32
          %dma_wait3A_33 = tpu.memref_slice %arg12[%mul3A_26, %dma_wait3A] : memref<10000x128xf32, #tpu.memory_space<vmem_shared>> -> memref<200x128xf32, #tpu.memory_space<vmem_shared>>
          %dma_wait3A_34 = arith.constant 0 : i32
          %dma_wait3A_35 = tpu.memref_slice %arg12[%mul3A_26, %dma_wait3A_34] : memref<10000x128xf32, #tpu.memory_space<vmem_shared>> -> memref<200x128xf32, #tpu.memory_space<vmem_shared>>
          tpu.wait_dma2 semaphore(%run_scoped3A : memref<!tpu.dma_semaphore, #tpu.memory_space<semaphore_mem>>) src(%dma_wait3A_35 : memref<200x128xf32, #tpu.memory_space<vmem_shared>>) dst(%arg11 : memref<200x128xf32, #tpu.memory_space<vmem>>)
          tpu.yield
        }) : () -> ()
        %mul3A_27 = arith.constant 10000 : i32
        %mul3A_28 = arith.muli %arg0, %mul3A_27 : i32
        %add3A_29 = arith.addi %mul3A_28, %mul3A_26 : i32
        "tpu.region"() ({
          %run_scoped3A = tpu.sem_alloc : memref<!tpu.dma_semaphore, #tpu.memory_space<semaphore_mem>>
          %dma_start3A = arith.constant 0 : i32
          %dma_start3A_30 = tpu.memref_slice %arg7[%add3A_29, %dma_start3A] : memref<20000x128xf32, #tpu.memory_space<hbm>> -> memref<200x128xf32, #tpu.memory_space<hbm>>
          %dma_start3A_31 = arith.constant 0 : i32
          %dma_start3A_32 = tpu.memref_slice %arg7[%add3A_29, %dma_start3A_31] : memref<20000x128xf32, #tpu.memory_space<hbm>> -> memref<200x128xf32, #tpu.memory_space<hbm>>
          tpu.enqueue_dma source(%arg11 : memref<200x128xf32, #tpu.memory_space<vmem>>) target(%dma_start3A_32 : memref<200x128xf32, #tpu.memory_space<hbm>>) target_semaphore(%run_scoped3A : memref<!tpu.dma_semaphore, #tpu.memory_space<semaphore_mem>>)
          %dma_wait3A = arith.constant 0 : i32
          %dma_wait3A_33 = tpu.memref_slice %arg7[%add3A_29, %dma_wait3A] : memref<20000x128xf32, #tpu.memory_space<hbm>> -> memref<200x128xf32, #tpu.memory_space<hbm>>
          %dma_wait3A_34 = arith.constant 0 : i32
          %dma_wait3A_35 = tpu.memref_slice %arg7[%add3A_29, %dma_wait3A_34] : memref<20000x128xf32, #tpu.memory_space<hbm>> -> memref<200x128xf32, #tpu.memory_space<hbm>>
          tpu.wait_dma2 semaphore(%run_scoped3A : memref<!tpu.dma_semaphore, #tpu.memory_space<semaphore_mem>>) src(%arg11 : memref<200x128xf32, #tpu.memory_space<vmem>>) dst(%dma_wait3A_35 : memref<200x128xf32, #tpu.memory_space<hbm>>)
          tpu.yield
        }) : () -> ()
      } else {
      }
    }
    %scan3A_15 = arith.constant 4 : i32
    return
  }
}

#map = affine_map<(d0, d1) -> (0)>
#map1 = affine_map<(d0, d1) -> (0, 0)>
module attributes {stable_mosaic.version = 14 : i64} {
  func.func @edge_kernel(%arg0: i32, %arg1: i32, %arg2: memref<320000xi32, #tpu.memory_space<hbm>>, %arg3: memref<320000xi32, #tpu.memory_space<hbm>>, %arg4: memref<10000x128xf32, #tpu.memory_space<hbm>>, %arg5: memref<10000x128xf32, #tpu.memory_space<hbm>>, %arg6: memref<200x128xf32, #tpu.memory_space<hbm>>, %arg7: memref<20000x128xf32, #tpu.memory_space<hbm>>, %arg8: memref<80xi32, #tpu.memory_space<vmem>>, %arg9: memref<80xi32, #tpu.memory_space<vmem>>, %arg10: memref<80x128xf32, #tpu.memory_space<vmem>>, %arg11: memref<200x128xf32, #tpu.memory_space<vmem>>, %arg12: memref<10000x128xf32, #tpu.memory_space<vmem_shared>>, %arg13: memref<!tpu.dma_semaphore, #tpu.memory_space<semaphore_mem>>) attributes {dimension_semantics = [#tpu.dimension_semantics<core_parallel>, #tpu.dimension_semantics<subcore_parallel>], iteration_bounds = array<i64: 2, 16>, scalar_prefetch = 0 : i64, scratch_operands = 6 : i64, tpu.core_type = #tpu.core_type<sc_vector_subcore>, window_params = [{transform_indices = #map}, {transform_indices = #map}, {transform_indices = #map1}, {transform_indices = #map1}, {transform_indices = #map1}, {transform_indices = #map1}]} {
    "tpu.region"() ({
      %run_scoped3A = tpu.sem_alloc : memref<!tpu.dma_semaphore, #tpu.memory_space<semaphore_mem>>
      tpu.enqueue_dma source(%arg6 : memref<200x128xf32, #tpu.memory_space<hbm>>) target(%arg11 : memref<200x128xf32, #tpu.memory_space<vmem>>) target_semaphore(%run_scoped3A : memref<!tpu.dma_semaphore, #tpu.memory_space<semaphore_mem>>)
      tpu.wait_dma2 semaphore(%run_scoped3A : memref<!tpu.dma_semaphore, #tpu.memory_space<semaphore_mem>>) src(%arg6 : memref<200x128xf32, #tpu.memory_space<hbm>>) dst(%arg11 : memref<200x128xf32, #tpu.memory_space<vmem>>)
      tpu.yield
    }) : () -> ()
    %scan3A = arith.constant 0 : i32
    %scan3A_0 = arith.constant 4 : i32
    %scan3A_1 = arith.addi %scan3A, %scan3A_0 : i32
    %scan3A_2 = arith.constant 1 : i32
    scf.for %scan3A_18 = %scan3A to %scan3A_1 step %scan3A_2  : i32 {
      %mul3A_19 = arith.constant 1 : i32
      %mul3A_20 = arith.muli %scan3A_18, %mul3A_19 : i32
      %add3A_21 = arith.constant 0 : i32
      %add3A_22 = arith.addi %add3A_21, %mul3A_20 : i32
      %mul3A_23 = arith.constant 16 : i32
      %mul3A_24 = arith.muli %add3A_22, %mul3A_23 : i32
      %add3A_25 = arith.addi %arg1, %mul3A_24 : i32
      %lt3A = arith.constant 50 : i32
      %lt3A_26 = arith.cmpi slt, %add3A_25, %lt3A : i32
      %convert_element_type3A = arith.extui %lt3A_26 : i1 to i32
      %cond3A = arith.constant 0 : i32
      %cond3A_27 = arith.cmpi ne, %convert_element_type3A, %cond3A : i32
      scf.if %cond3A_27 {
        %mul3A_28 = arith.constant 200 : i32
        %mul3A_29 = arith.muli %add3A_25, %mul3A_28 : i32
        "tpu.region"() ({
          %run_scoped3A = tpu.sem_alloc : memref<!tpu.dma_semaphore, #tpu.memory_space<semaphore_mem>>
          %dma_start3A = arith.constant 0 : i32
          %dma_start3A_30 = tpu.memref_slice %arg12[%mul3A_29, %dma_start3A] : memref<10000x128xf32, #tpu.memory_space<vmem_shared>> -> memref<200x128xf32, #tpu.memory_space<vmem_shared>>
          %dma_start3A_31 = arith.constant 0 : i32
          %dma_start3A_32 = tpu.memref_slice %arg12[%mul3A_29, %dma_start3A_31] : memref<10000x128xf32, #tpu.memory_space<vmem_shared>> -> memref<200x128xf32, #tpu.memory_space<vmem_shared>>
          tpu.enqueue_dma source(%arg11 : memref<200x128xf32, #tpu.memory_space<vmem>>) target(%dma_start3A_32 : memref<200x128xf32, #tpu.memory_space<vmem_shared>>) target_semaphore(%run_scoped3A : memref<!tpu.dma_semaphore, #tpu.memory_space<semaphore_mem>>)
          %dma_wait3A = arith.constant 0 : i32
          %dma_wait3A_33 = tpu.memref_slice %arg12[%mul3A_29, %dma_wait3A] : memref<10000x128xf32, #tpu.memory_space<vmem_shared>> -> memref<200x128xf32, #tpu.memory_space<vmem_shared>>
          %dma_wait3A_34 = arith.constant 0 : i32
          %dma_wait3A_35 = tpu.memref_slice %arg12[%mul3A_29, %dma_wait3A_34] : memref<10000x128xf32, #tpu.memory_space<vmem_shared>> -> memref<200x128xf32, #tpu.memory_space<vmem_shared>>
          tpu.wait_dma2 semaphore(%run_scoped3A : memref<!tpu.dma_semaphore, #tpu.memory_space<semaphore_mem>>) src(%arg11 : memref<200x128xf32, #tpu.memory_space<vmem>>) dst(%dma_wait3A_35 : memref<200x128xf32, #tpu.memory_space<vmem_shared>>)
          tpu.yield
        }) : () -> ()
      } else {
      }
    }
    %scan3A_3 = arith.constant 4 : i32
    %barrier3A = arith.constant 0 : index
    tpu.barrier barrier_id(%barrier3A)
    %mul3A = arith.constant 16 : i32
    %mul3A_4 = arith.muli %arg0, %mul3A : i32
    %add3A = arith.addi %mul3A_4, %arg1 : i32
    %mul3A_5 = arith.constant 125 : i32
    %mul3A_6 = arith.muli %add3A, %mul3A_5 : i32
    %scan3A_7 = arith.constant 0 : i32
    %scan3A_8 = arith.constant 125 : i32
    %scan3A_9 = arith.addi %scan3A_7, %scan3A_8 : i32
    %scan3A_10 = arith.constant 1 : i32
    scf.for %scan3A_18 = %scan3A_7 to %scan3A_9 step %scan3A_10  : i32 {
      %mul3A_19 = arith.constant 1 : i32
      %mul3A_20 = arith.muli %scan3A_18, %mul3A_19 : i32
      %add3A_21 = arith.constant 0 : i32
      %add3A_22 = arith.addi %add3A_21, %mul3A_20 : i32
      %add3A_23 = arith.addi %mul3A_6, %add3A_22 : i32
      %mul3A_24 = arith.constant 80 : i32
      %mul3A_25 = arith.muli %add3A_23, %mul3A_24 : i32
      "tpu.region"() ({
        %run_scoped3A = tpu.sem_alloc : memref<!tpu.dma_semaphore, #tpu.memory_space<semaphore_mem>>
        %dma_start3A = tpu.memref_slice %arg2[%mul3A_25] : memref<320000xi32, #tpu.memory_space<hbm>> -> memref<80xi32, #tpu.memory_space<hbm>>
        %dma_start3A_33 = tpu.memref_slice %arg2[%mul3A_25] : memref<320000xi32, #tpu.memory_space<hbm>> -> memref<80xi32, #tpu.memory_space<hbm>>
        tpu.enqueue_dma source(%dma_start3A_33 : memref<80xi32, #tpu.memory_space<hbm>>) target(%arg8 : memref<80xi32, #tpu.memory_space<vmem>>) target_semaphore(%run_scoped3A : memref<!tpu.dma_semaphore, #tpu.memory_space<semaphore_mem>>)
        %dma_wait3A = tpu.memref_slice %arg2[%mul3A_25] : memref<320000xi32, #tpu.memory_space<hbm>> -> memref<80xi32, #tpu.memory_space<hbm>>
        %dma_wait3A_34 = tpu.memref_slice %arg2[%mul3A_25] : memref<320000xi32, #tpu.memory_space<hbm>> -> memref<80xi32, #tpu.memory_space<hbm>>
        tpu.wait_dma2 semaphore(%run_scoped3A : memref<!tpu.dma_semaphore, #tpu.memory_space<semaphore_mem>>) src(%dma_wait3A_34 : memref<80xi32, #tpu.memory_space<hbm>>) dst(%arg8 : memref<80xi32, #tpu.memory_space<vmem>>)
        tpu.yield
      }) : () -> ()
      %eq3A = arith.constant 0 : i32
      %eq3A_26 = arith.cmpi eq, %arg0, %eq3A : i32
      %convert_element_type3A = arith.extui %eq3A_26 : i1 to i32
      %cond3A = arith.constant 0 : i32
      %cond3A_27 = arith.cmpi ne, %convert_element_type3A, %cond3A : i32
      scf.if %cond3A_27 {
        %dma_start3A = arith.constant 0 : i32
        %dma_start3A_33 = arith.constant 0 : i32
        %dma_start3A_34 = tpu.memref_slice %arg4[%dma_start3A, %dma_start3A_33] : memref<10000x128xf32, #tpu.memory_space<hbm>> -> memref<10000x128xf32, #tpu.memory_space<hbm>>
        tpu.enqueue_indirect_dma source(%dma_start3A_34 : memref<10000x128xf32, #tpu.memory_space<hbm>>) target(%arg10 : memref<80x128xf32, #tpu.memory_space<vmem>>) offsets(%arg8 : memref<80xi32, #tpu.memory_space<vmem>>) semaphore(%arg13 : memref<!tpu.dma_semaphore, #tpu.memory_space<semaphore_mem>>)
        "tpu.region"() ({
          %run_scoped3A = tpu.sem_alloc : memref<!tpu.dma_semaphore, #tpu.memory_space<semaphore_mem>>
          %dma_start3A_37 = tpu.memref_slice %arg3[%mul3A_25] : memref<320000xi32, #tpu.memory_space<hbm>> -> memref<80xi32, #tpu.memory_space<hbm>>
          %dma_start3A_38 = tpu.memref_slice %arg3[%mul3A_25] : memref<320000xi32, #tpu.memory_space<hbm>> -> memref<80xi32, #tpu.memory_space<hbm>>
          tpu.enqueue_dma source(%dma_start3A_38 : memref<80xi32, #tpu.memory_space<hbm>>) target(%arg9 : memref<80xi32, #tpu.memory_space<vmem>>) target_semaphore(%run_scoped3A : memref<!tpu.dma_semaphore, #tpu.memory_space<semaphore_mem>>)
          %dma_wait3A_39 = tpu.memref_slice %arg3[%mul3A_25] : memref<320000xi32, #tpu.memory_space<hbm>> -> memref<80xi32, #tpu.memory_space<hbm>>
          %dma_wait3A_40 = tpu.memref_slice %arg3[%mul3A_25] : memref<320000xi32, #tpu.memory_space<hbm>> -> memref<80xi32, #tpu.memory_space<hbm>>
          tpu.wait_dma2 semaphore(%run_scoped3A : memref<!tpu.dma_semaphore, #tpu.memory_space<semaphore_mem>>) src(%dma_wait3A_40 : memref<80xi32, #tpu.memory_space<hbm>>) dst(%arg9 : memref<80xi32, #tpu.memory_space<vmem>>)
          tpu.yield
        }) : () -> ()
        %dma_wait3A = arith.constant 0 : i32
        %dma_wait3A_35 = arith.constant 0 : i32
        %dma_wait3A_36 = tpu.memref_slice %arg4[%dma_wait3A, %dma_wait3A_35] : memref<10000x128xf32, #tpu.memory_space<hbm>> -> memref<10000x128xf32, #tpu.memory_space<hbm>>
        tpu.wait_indirect_dma semaphore(%arg13 : memref<!tpu.dma_semaphore, #tpu.memory_space<semaphore_mem>>) src(%dma_wait3A_36 : memref<10000x128xf32, #tpu.memory_space<hbm>>) dst(%arg10 : memref<80x128xf32, #tpu.memory_space<vmem>>)
      } else {
      }
      %eq3A_28 = arith.constant 1 : i32
      %eq3A_29 = arith.cmpi eq, %arg0, %eq3A_28 : i32
      %convert_element_type3A_30 = arith.extui %eq3A_29 : i1 to i32
      %cond3A_31 = arith.constant 0 : i32
      %cond3A_32 = arith.cmpi ne, %convert_element_type3A_30, %cond3A_31 : i32
      scf.if %cond3A_32 {
        %dma_start3A = arith.constant 0 : i32
        %dma_start3A_33 = arith.constant 0 : i32
        %dma_start3A_34 = tpu.memref_slice %arg5[%dma_start3A, %dma_start3A_33] : memref<10000x128xf32, #tpu.memory_space<hbm>> -> memref<10000x128xf32, #tpu.memory_space<hbm>>
        tpu.enqueue_indirect_dma source(%dma_start3A_34 : memref<10000x128xf32, #tpu.memory_space<hbm>>) target(%arg10 : memref<80x128xf32, #tpu.memory_space<vmem>>) offsets(%arg8 : memref<80xi32, #tpu.memory_space<vmem>>) semaphore(%arg13 : memref<!tpu.dma_semaphore, #tpu.memory_space<semaphore_mem>>)
        "tpu.region"() ({
          %run_scoped3A = tpu.sem_alloc : memref<!tpu.dma_semaphore, #tpu.memory_space<semaphore_mem>>
          %dma_start3A_37 = tpu.memref_slice %arg3[%mul3A_25] : memref<320000xi32, #tpu.memory_space<hbm>> -> memref<80xi32, #tpu.memory_space<hbm>>
          %dma_start3A_38 = tpu.memref_slice %arg3[%mul3A_25] : memref<320000xi32, #tpu.memory_space<hbm>> -> memref<80xi32, #tpu.memory_space<hbm>>
          tpu.enqueue_dma source(%dma_start3A_38 : memref<80xi32, #tpu.memory_space<hbm>>) target(%arg9 : memref<80xi32, #tpu.memory_space<vmem>>) target_semaphore(%run_scoped3A : memref<!tpu.dma_semaphore, #tpu.memory_space<semaphore_mem>>)
          %dma_wait3A_39 = tpu.memref_slice %arg3[%mul3A_25] : memref<320000xi32, #tpu.memory_space<hbm>> -> memref<80xi32, #tpu.memory_space<hbm>>
          %dma_wait3A_40 = tpu.memref_slice %arg3[%mul3A_25] : memref<320000xi32, #tpu.memory_space<hbm>> -> memref<80xi32, #tpu.memory_space<hbm>>
          tpu.wait_dma2 semaphore(%run_scoped3A : memref<!tpu.dma_semaphore, #tpu.memory_space<semaphore_mem>>) src(%dma_wait3A_40 : memref<80xi32, #tpu.memory_space<hbm>>) dst(%arg9 : memref<80xi32, #tpu.memory_space<vmem>>)
          tpu.yield
        }) : () -> ()
        %dma_wait3A = arith.constant 0 : i32
        %dma_wait3A_35 = arith.constant 0 : i32
        %dma_wait3A_36 = tpu.memref_slice %arg5[%dma_wait3A, %dma_wait3A_35] : memref<10000x128xf32, #tpu.memory_space<hbm>> -> memref<10000x128xf32, #tpu.memory_space<hbm>>
        tpu.wait_indirect_dma semaphore(%arg13 : memref<!tpu.dma_semaphore, #tpu.memory_space<semaphore_mem>>) src(%dma_wait3A_36 : memref<10000x128xf32, #tpu.memory_space<hbm>>) dst(%arg10 : memref<80x128xf32, #tpu.memory_space<vmem>>)
      } else {
      }
      "tpu.region"() ({
        %run_scoped3A = tpu.sem_alloc : memref<!tpu.dma_semaphore, #tpu.memory_space<semaphore_mem>>
        %dma_start3A = arith.constant 0 : i32
        %dma_start3A_33 = arith.constant 0 : i32
        %dma_start3A_34 = tpu.memref_slice %arg12[%dma_start3A, %dma_start3A_33] : memref<10000x128xf32, #tpu.memory_space<vmem_shared>> -> memref<10000x128xf32, #tpu.memory_space<vmem_shared>>
        tpu.enqueue_indirect_dma source(%arg10 : memref<80x128xf32, #tpu.memory_space<vmem>>) target(%dma_start3A_34 : memref<10000x128xf32, #tpu.memory_space<vmem_shared>>) offsets(%arg9 : memref<80xi32, #tpu.memory_space<vmem>>) semaphore(%run_scoped3A : memref<!tpu.dma_semaphore, #tpu.memory_space<semaphore_mem>>) {add = true}
        %dma_wait3A = arith.constant 0 : i32
        %dma_wait3A_35 = arith.constant 0 : i32
        %dma_wait3A_36 = tpu.memref_slice %arg12[%dma_wait3A, %dma_wait3A_35] : memref<10000x128xf32, #tpu.memory_space<vmem_shared>> -> memref<10000x128xf32, #tpu.memory_space<vmem_shared>>
        tpu.wait_indirect_dma semaphore(%run_scoped3A : memref<!tpu.dma_semaphore, #tpu.memory_space<semaphore_mem>>) src(%arg10 : memref<80x128xf32, #tpu.memory_space<vmem>>) dst(%dma_wait3A_36 : memref<10000x128xf32, #tpu.memory_space<vmem_shared>>)
        tpu.yield
      }) : () -> ()
    }
    %scan3A_11 = arith.constant 125 : i32
    %barrier3A_12 = arith.constant 0 : index
    tpu.barrier barrier_id(%barrier3A_12)
    %scan3A_13 = arith.constant 0 : i32
    %scan3A_14 = arith.constant 4 : i32
    %scan3A_15 = arith.addi %scan3A_13, %scan3A_14 : i32
    %scan3A_16 = arith.constant 1 : i32
    scf.for %scan3A_18 = %scan3A_13 to %scan3A_15 step %scan3A_16  : i32 {
      %mul3A_19 = arith.constant 1 : i32
      %mul3A_20 = arith.muli %scan3A_18, %mul3A_19 : i32
      %add3A_21 = arith.constant 0 : i32
      %add3A_22 = arith.addi %add3A_21, %mul3A_20 : i32
      %mul3A_23 = arith.constant 16 : i32
      %mul3A_24 = arith.muli %add3A_22, %mul3A_23 : i32
      %add3A_25 = arith.addi %arg1, %mul3A_24 : i32
      %lt3A = arith.constant 50 : i32
      %lt3A_26 = arith.cmpi slt, %add3A_25, %lt3A : i32
      %convert_element_type3A = arith.extui %lt3A_26 : i1 to i32
      %cond3A = arith.constant 0 : i32
      %cond3A_27 = arith.cmpi ne, %convert_element_type3A, %cond3A : i32
      scf.if %cond3A_27 {
        %mul3A_28 = arith.constant 200 : i32
        %mul3A_29 = arith.muli %add3A_25, %mul3A_28 : i32
        "tpu.region"() ({
          %run_scoped3A = tpu.sem_alloc : memref<!tpu.dma_semaphore, #tpu.memory_space<semaphore_mem>>
          %dma_start3A = arith.constant 0 : i32
          %dma_start3A_33 = tpu.memref_slice %arg12[%mul3A_29, %dma_start3A] : memref<10000x128xf32, #tpu.memory_space<vmem_shared>> -> memref<200x128xf32, #tpu.memory_space<vmem_shared>>
          %dma_start3A_34 = arith.constant 0 : i32
          %dma_start3A_35 = tpu.memref_slice %arg12[%mul3A_29, %dma_start3A_34] : memref<10000x128xf32, #tpu.memory_space<vmem_shared>> -> memref<200x128xf32, #tpu.memory_space<vmem_shared>>
          tpu.enqueue_dma source(%dma_start3A_35 : memref<200x128xf32, #tpu.memory_space<vmem_shared>>) target(%arg11 : memref<200x128xf32, #tpu.memory_space<vmem>>) target_semaphore(%run_scoped3A : memref<!tpu.dma_semaphore, #tpu.memory_space<semaphore_mem>>)
          %dma_wait3A = arith.constant 0 : i32
          %dma_wait3A_36 = tpu.memref_slice %arg12[%mul3A_29, %dma_wait3A] : memref<10000x128xf32, #tpu.memory_space<vmem_shared>> -> memref<200x128xf32, #tpu.memory_space<vmem_shared>>
          %dma_wait3A_37 = arith.constant 0 : i32
          %dma_wait3A_38 = tpu.memref_slice %arg12[%mul3A_29, %dma_wait3A_37] : memref<10000x128xf32, #tpu.memory_space<vmem_shared>> -> memref<200x128xf32, #tpu.memory_space<vmem_shared>>
          tpu.wait_dma2 semaphore(%run_scoped3A : memref<!tpu.dma_semaphore, #tpu.memory_space<semaphore_mem>>) src(%dma_wait3A_38 : memref<200x128xf32, #tpu.memory_space<vmem_shared>>) dst(%arg11 : memref<200x128xf32, #tpu.memory_space<vmem>>)
          tpu.yield
        }) : () -> ()
        %mul3A_30 = arith.constant 10000 : i32
        %mul3A_31 = arith.muli %arg0, %mul3A_30 : i32
        %add3A_32 = arith.addi %mul3A_31, %mul3A_29 : i32
        "tpu.region"() ({
          %run_scoped3A = tpu.sem_alloc : memref<!tpu.dma_semaphore, #tpu.memory_space<semaphore_mem>>
          %dma_start3A = arith.constant 0 : i32
          %dma_start3A_33 = tpu.memref_slice %arg7[%add3A_32, %dma_start3A] : memref<20000x128xf32, #tpu.memory_space<hbm>> -> memref<200x128xf32, #tpu.memory_space<hbm>>
          %dma_start3A_34 = arith.constant 0 : i32
          %dma_start3A_35 = tpu.memref_slice %arg7[%add3A_32, %dma_start3A_34] : memref<20000x128xf32, #tpu.memory_space<hbm>> -> memref<200x128xf32, #tpu.memory_space<hbm>>
          tpu.enqueue_dma source(%arg11 : memref<200x128xf32, #tpu.memory_space<vmem>>) target(%dma_start3A_35 : memref<200x128xf32, #tpu.memory_space<hbm>>) target_semaphore(%run_scoped3A : memref<!tpu.dma_semaphore, #tpu.memory_space<semaphore_mem>>)
          %dma_wait3A = arith.constant 0 : i32
          %dma_wait3A_36 = tpu.memref_slice %arg7[%add3A_32, %dma_wait3A] : memref<20000x128xf32, #tpu.memory_space<hbm>> -> memref<200x128xf32, #tpu.memory_space<hbm>>
          %dma_wait3A_37 = arith.constant 0 : i32
          %dma_wait3A_38 = tpu.memref_slice %arg7[%add3A_32, %dma_wait3A_37] : memref<20000x128xf32, #tpu.memory_space<hbm>> -> memref<200x128xf32, #tpu.memory_space<hbm>>
          tpu.wait_dma2 semaphore(%run_scoped3A : memref<!tpu.dma_semaphore, #tpu.memory_space<semaphore_mem>>) src(%arg11 : memref<200x128xf32, #tpu.memory_space<vmem>>) dst(%dma_wait3A_38 : memref<200x128xf32, #tpu.memory_space<hbm>>)
          tpu.yield
        }) : () -> ()
      } else {
      }
    }
    %scan3A_17 = arith.constant 4 : i32
    return
  }
}

module attributes {stable_mosaic.version = 14 : i64} {
  func.func @body(%arg0: i32, %arg1: i32, %arg2: memref<1000x128xf32, #tpu.memory_space<vmem>>, %arg3: memref<128x128xf32, #tpu.memory_space<vmem>>, %arg4: memref<1000x128xf32, #tpu.memory_space<vmem>>, %arg5: memref<1000x128xf32, #tpu.memory_space<vmem>>, %arg6: memref<1000x128xf32, #tpu.memory_space<vmem>>) attributes {dimension_semantics = [#tpu.dimension_semantics<arbitrary>, #tpu.dimension_semantics<arbitrary>], iteration_bounds = array<i64: 10, 2>, scalar_prefetch = 0 : i64, scratch_operands = 0 : i64, tpu.core_type = #tpu.core_type<tc>, window_params = [{transform_indices = @transform_0, window_bounds = array<i64: 1000, 128>}, {transform_indices = @transform_1, window_bounds = array<i64: 128, 128>}, {transform_indices = @transform_2, window_bounds = array<i64: 1000, 128>}, {transform_indices = @transform_3, window_bounds = array<i64: 1000, 128>}, {transform_indices = @transform_4, window_bounds = array<i64: 1000, 128>}]} {
    %get3A = arith.constant 0 : index
    %get3A_0 = arith.constant 0 : index
    %get3A_1 = vector.load %arg4[%get3A, %get3A_0] : memref<1000x128xf32, #tpu.memory_space<vmem>>, vector<1000x128xf32>
    %get3A_2 = arith.constant 0 : index
    %get3A_3 = arith.constant 0 : index
    %get3A_4 = vector.load %arg5[%get3A_2, %get3A_3] : memref<1000x128xf32, #tpu.memory_space<vmem>>, vector<1000x128xf32>
    %slice3A = vector.extract_strided_slice %get3A_1 {offsets = [0, 0], sizes = [1000, 1], strides = [1, 1]} : vector<1000x128xf32> to vector<1000x1xf32>
    %slice3A_5 = vector.extract_strided_slice %get3A_4 {offsets = [0, 0], sizes = [1000, 1], strides = [1, 1]} : vector<1000x128xf32> to vector<1000x1xf32>
    %add3A = arith.addf %slice3A, %slice3A_5 : vector<1000x1xf32>
    %max3A = arith.constant 1.000000e+00 : f32
    %max3A_6 = vector.broadcast %max3A : f32 to vector<1000x1xf32>
    %max3A_7 = arith.maximumf %add3A, %max3A_6 : vector<1000x1xf32>
    %rsqrt3A = math.rsqrt %max3A_7 : vector<1000x1xf32>
    %get3A_8 = arith.constant 0 : index
    %get3A_9 = arith.constant 0 : index
    %get3A_10 = vector.load %arg2[%get3A_8, %get3A_9] : memref<1000x128xf32, #tpu.memory_space<vmem>>, vector<1000x128xf32>
    %mul3A = vector.broadcast %rsqrt3A : vector<1000x1xf32> to vector<1000x128xf32>
    %mul3A_11 = arith.mulf %get3A_10, %mul3A : vector<1000x128xf32>
    %get3A_12 = arith.constant 0 : index
    %get3A_13 = arith.constant 0 : index
    %get3A_14 = vector.load %arg3[%get3A_12, %get3A_13] : memref<128x128xf32, #tpu.memory_space<vmem>>, vector<128x128xf32>
    %dot_general3A = arith.constant dense<0.000000e+00> : vector<1000x128xf32>
    %dot_general3A_15 = tpu.matmul %mul3A_11, %get3A_14, %dot_general3A {dimension_numbers = #tpu.dot_dimension_numbers<[1], [0], [0], [1], [0, 0, 1, 1], [], []>, transpose_lhs_hint = false} : vector<1000x128xf32>, vector<128x128xf32>, vector<1000x128xf32> -> vector<1000x128xf32>
    %swap3A = arith.constant 0 : index
    %swap3A_16 = arith.constant 0 : index
    %swap3A_17 = vector.load %arg6[%swap3A, %swap3A_16] : memref<1000x128xf32, #tpu.memory_space<vmem>>, vector<1000x128xf32>
    tpu.vector_store %arg6[%swap3A, %swap3A_16], %dot_general3A_15 {strides = array<i32>} : memref<1000x128xf32, #tpu.memory_space<vmem>>, vector<1000x128xf32>,
    return
  }
  func.func @transform_0(%arg0: i32, %arg1: i32) -> (i32, i32) {
    %c0_i32 = arith.constant 0 : i32
    %c0_i32_0 = arith.constant 0 : i32
    return %arg0, %c0_i32 : i32, i32
  }
  func.func @transform_1(%arg0: i32, %arg1: i32) -> (i32, i32) {
    %c0_i32 = arith.constant 0 : i32
    %c0_i32_0 = arith.constant 0 : i32
    return %c0_i32, %arg1 : i32, i32
  }
  func.func @transform_2(%arg0: i32, %arg1: i32) -> (i32, i32) {
    %c0_i32 = arith.constant 0 : i32
    %c0_i32_0 = arith.constant 0 : i32
    return %arg0, %c0_i32 : i32, i32
  }
  func.func @transform_3(%arg0: i32, %arg1: i32) -> (i32, i32) {
    %add3A = arith.constant 10 : i32
    %add3A_0 = arith.addi %add3A, %arg0 : i32
    %c0_i32 = arith.constant 0 : i32
    %c0_i32_1 = arith.constant 0 : i32
    return %add3A_0, %c0_i32 : i32, i32
  }
  func.func @transform_4(%arg0: i32, %arg1: i32) -> (i32, i32) {
    %mul3A = arith.constant 10 : i32
    %mul3A_0 = arith.muli %arg1, %mul3A : i32
    %add3A = arith.addi %mul3A_0, %arg0 : i32
    %c0_i32 = arith.constant 0 : i32
    %c0_i32_1 = arith.constant 0 : i32
    return %add3A, %c0_i32 : i32, i32
  }
}

module attributes {stable_mosaic.version = 14 : i64} {
  func.func @body(%arg0: i32, %arg1: i32, %arg2: memref<1000x128xf32, #tpu.memory_space<vmem>>, %arg3: memref<128x128xf32, #tpu.memory_space<vmem>>, %arg4: memref<1x1x128xf32, #tpu.memory_space<vmem>>, %arg5: memref<1000x128xf32, #tpu.memory_space<vmem>>, %arg6: memref<1000x128xf32, #tpu.memory_space<vmem>>, %arg7: memref<1000x128xf32, #tpu.memory_space<vmem>>) attributes {dimension_semantics = [#tpu.dimension_semantics<arbitrary>, #tpu.dimension_semantics<arbitrary>], iteration_bounds = array<i64: 10, 2>, scalar_prefetch = 0 : i64, scratch_operands = 0 : i64, tpu.core_type = #tpu.core_type<tc>, window_params = [{transform_indices = @transform_0, window_bounds = array<i64: 1000, 128>}, {transform_indices = @transform_1, window_bounds = array<i64: 128, 128>}, {transform_indices = @transform_2, window_bounds = array<i64: 1, 1, 128>}, {transform_indices = @transform_3, window_bounds = array<i64: 1000, 128>}, {transform_indices = @transform_4, window_bounds = array<i64: 1000, 128>}, {transform_indices = @transform_5, window_bounds = array<i64: 1000, 128>}]} {
    %get3A = arith.constant 0 : index
    %get3A_0 = arith.constant 0 : index
    %get3A_1 = vector.load %arg5[%get3A, %get3A_0] : memref<1000x128xf32, #tpu.memory_space<vmem>>, vector<1000x128xf32>
    %get3A_2 = arith.constant 0 : index
    %get3A_3 = arith.constant 0 : index
    %get3A_4 = vector.load %arg6[%get3A_2, %get3A_3] : memref<1000x128xf32, #tpu.memory_space<vmem>>, vector<1000x128xf32>
    %slice3A = vector.extract_strided_slice %get3A_1 {offsets = [0, 1], sizes = [1000, 1], strides = [1, 1]} : vector<1000x128xf32> to vector<1000x1xf32>
    %slice3A_5 = vector.extract_strided_slice %get3A_4 {offsets = [0, 1], sizes = [1000, 1], strides = [1, 1]} : vector<1000x128xf32> to vector<1000x1xf32>
    %add3A = arith.addf %slice3A, %slice3A_5 : vector<1000x1xf32>
    %max3A = arith.constant 1.000000e+00 : f32
    %max3A_6 = vector.broadcast %max3A : f32 to vector<1000x1xf32>
    %max3A_7 = arith.maximumf %add3A, %max3A_6 : vector<1000x1xf32>
    %rsqrt3A = math.rsqrt %max3A_7 : vector<1000x1xf32>
    %get3A_8 = arith.constant 0 : index
    %get3A_9 = arith.constant 0 : index
    %get3A_10 = vector.load %arg5[%get3A_8, %get3A_9] : memref<1000x128xf32, #tpu.memory_space<vmem>>, vector<1000x128xf32>
    %get3A_11 = arith.constant 0 : index
    %get3A_12 = arith.constant 0 : index
    %get3A_13 = vector.load %arg6[%get3A_11, %get3A_12] : memref<1000x128xf32, #tpu.memory_space<vmem>>, vector<1000x128xf32>
    %slice3A_14 = vector.extract_strided_slice %get3A_10 {offsets = [0, 0], sizes = [1000, 1], strides = [1, 1]} : vector<1000x128xf32> to vector<1000x1xf32>
    %slice3A_15 = vector.extract_strided_slice %get3A_13 {offsets = [0, 0], sizes = [1000, 1], strides = [1, 1]} : vector<1000x128xf32> to vector<1000x1xf32>
    %add3A_16 = arith.addf %slice3A_14, %slice3A_15 : vector<1000x1xf32>
    %max3A_17 = arith.constant 1.000000e+00 : f32
    %max3A_18 = vector.broadcast %max3A_17 : f32 to vector<1000x1xf32>
    %max3A_19 = arith.maximumf %add3A_16, %max3A_18 : vector<1000x1xf32>
    %rsqrt3A_20 = math.rsqrt %max3A_19 : vector<1000x1xf32>
    %get3A_21 = arith.constant 0 : index
    %get3A_22 = arith.constant 0 : index
    %get3A_23 = vector.load %arg2[%get3A_21, %get3A_22] : memref<1000x128xf32, #tpu.memory_space<vmem>>, vector<1000x128xf32>
    %mul3A = vector.broadcast %rsqrt3A : vector<1000x1xf32> to vector<1000x128xf32>
    %mul3A_24 = arith.mulf %get3A_23, %mul3A : vector<1000x128xf32>
    %get3A_25 = arith.constant 0 : index
    %get3A_26 = arith.constant 0 : index
    %get3A_27 = arith.constant 0 : index
    %get3A_28 = vector.load %arg4[%get3A_25, %get3A_26, %get3A_27] : memref<1x1x128xf32, #tpu.memory_space<vmem>>, vector<1x1x128xf32>
    %get3A_29 = vector.shape_cast %get3A_28 : vector<1x1x128xf32> to vector<1x128xf32>
    %add3A_30 = vector.broadcast %get3A_29 : vector<1x128xf32> to vector<1000x128xf32>
    %add3A_31 = arith.addf %mul3A_24, %add3A_30 : vector<1000x128xf32>
    %max3A_32 = arith.constant 0.000000e+00 : f32
    %max3A_33 = vector.broadcast %max3A_32 : f32 to vector<1000x128xf32>
    %max3A_34 = arith.maximumf %add3A_31, %max3A_33 : vector<1000x128xf32>
    %mul3A_35 = vector.broadcast %rsqrt3A_20 : vector<1000x1xf32> to vector<1000x128xf32>
    %mul3A_36 = arith.mulf %max3A_34, %mul3A_35 : vector<1000x128xf32>
    %get3A_37 = arith.constant 0 : index
    %get3A_38 = arith.constant 0 : index
    %get3A_39 = vector.load %arg3[%get3A_37, %get3A_38] : memref<128x128xf32, #tpu.memory_space<vmem>>, vector<128x128xf32>
    %dot_general3A = arith.constant dense<0.000000e+00> : vector<1000x128xf32>
    %dot_general3A_40 = tpu.matmul %mul3A_36, %get3A_39, %dot_general3A {dimension_numbers = #tpu.dot_dimension_numbers<[1], [0], [0], [1], [0, 0, 1, 1], [], []>, transpose_lhs_hint = false} : vector<1000x128xf32>, vector<128x128xf32>, vector<1000x128xf32> -> vector<1000x128xf32>
    %eq3A = arith.constant 0 : i32
    %eq3A_41 = arith.cmpi eq, %arg1, %eq3A : i32
    %convert_element_type3A = arith.extui %eq3A_41 : i1 to i32
    %cond3A = arith.constant 0 : i32
    %cond3A_42 = arith.cmpi ne, %convert_element_type3A, %cond3A : i32
    scf.if %cond3A_42 {
      %swap3A = arith.constant 0 : index
      %swap3A_47 = arith.constant 0 : index
      %swap3A_48 = vector.load %arg7[%swap3A, %swap3A_47] : memref<1000x128xf32, #tpu.memory_space<vmem>>, vector<1000x128xf32>
      tpu.vector_store %arg7[%swap3A, %swap3A_47], %dot_general3A_40 {strides = array<i32>} : memref<1000x128xf32, #tpu.memory_space<vmem>>, vector<1000x128xf32>,
    } else {
    }
    %gt3A = arith.constant 0 : i32
    %gt3A_43 = arith.cmpi sgt, %arg1, %gt3A : i32
    %convert_element_type3A_44 = arith.extui %gt3A_43 : i1 to i32
    %cond3A_45 = arith.constant 0 : i32
    %cond3A_46 = arith.cmpi ne, %convert_element_type3A_44, %cond3A_45 : i32
    scf.if %cond3A_46 {
      %get3A_47 = arith.constant 0 : index
      %get3A_48 = arith.constant 0 : index
      %get3A_49 = vector.load %arg7[%get3A_47, %get3A_48] : memref<1000x128xf32, #tpu.memory_space<vmem>>, vector<1000x128xf32>
      %add3A_50 = arith.addf %get3A_49, %dot_general3A_40 : vector<1000x128xf32>
      %swap3A = arith.constant 0 : index
      %swap3A_51 = arith.constant 0 : index
      %swap3A_52 = vector.load %arg7[%swap3A, %swap3A_51] : memref<1000x128xf32, #tpu.memory_space<vmem>>, vector<1000x128xf32>
      tpu.vector_store %arg7[%swap3A, %swap3A_51], %add3A_50 {strides = array<i32>} : memref<1000x128xf32, #tpu.memory_space<vmem>>, vector<1000x128xf32>,
    } else {
    }
    return
  }
  func.func @transform_0(%arg0: i32, %arg1: i32) -> (i32, i32) {
    %mul3A = arith.constant 10 : i32
    %mul3A_0 = arith.muli %arg1, %mul3A : i32
    %add3A = arith.addi %mul3A_0, %arg0 : i32
    %c0_i32 = arith.constant 0 : i32
    %c0_i32_1 = arith.constant 0 : i32
    return %add3A, %c0_i32 : i32, i32
  }
  func.func @transform_1(%arg0: i32, %arg1: i32) -> (i32, i32) {
    %c0_i32 = arith.constant 0 : i32
    %c0_i32_0 = arith.constant 0 : i32
    return %arg1, %c0_i32 : i32, i32
  }
  func.func @transform_2(%arg0: i32, %arg1: i32) -> (i32, i32, i32) {
    %c0_i32 = arith.constant 0 : i32
    %c0_i32_0 = arith.constant 0 : i32
    %c0_i32_1 = arith.constant 0 : i32
    return %arg1, %c0_i32, %c0_i32_0 : i32, i32, i32
  }
  func.func @transform_3(%arg0: i32, %arg1: i32) -> (i32, i32) {
    %c0_i32 = arith.constant 0 : i32
    %c0_i32_0 = arith.constant 0 : i32
    return %arg0, %c0_i32 : i32, i32
  }
  func.func @transform_4(%arg0: i32, %arg1: i32) -> (i32, i32) {
    %add3A = arith.constant 10 : i32
    %add3A_0 = arith.addi %add3A, %arg0 : i32
    %c0_i32 = arith.constant 0 : i32
    %c0_i32_1 = arith.constant 0 : i32
    return %add3A_0, %c0_i32 : i32, i32
  }
  func.func @transform_5(%arg0: i32, %arg1: i32) -> (i32, i32) {
    %c0_i32 = arith.constant 0 : i32
    %c0_i32_0 = arith.constant 0 : i32
    return %arg0, %c0_i32 : i32, i32
  }
}

module attributes {stable_mosaic.version = 14 : i64} {
  func.func @body(%arg0: i32, %arg1: memref<1000x128xf32, #tpu.memory_space<vmem>>, %arg2: memref<1000x128xf32, #tpu.memory_space<vmem>>, %arg3: memref<1000x128xf32, #tpu.memory_space<vmem>>, %arg4: memref<1000x128xf32, #tpu.memory_space<vmem>>, %arg5: memref<1x128xf32, #tpu.memory_space<vmem>>, %arg6: memref<1000x128xf32, #tpu.memory_space<vmem>>) attributes {dimension_semantics = [#tpu.dimension_semantics<arbitrary>], iteration_bounds = array<i64: 10>, scalar_prefetch = 0 : i64, scratch_operands = 0 : i64, tpu.core_type = #tpu.core_type<tc>, window_params = [{transform_indices = @transform_0, window_bounds = array<i64: 1000, 128>}, {transform_indices = @transform_1, window_bounds = array<i64: 1000, 128>}, {transform_indices = @transform_2, window_bounds = array<i64: 1000, 128>}, {transform_indices = @transform_3, window_bounds = array<i64: 1000, 128>}, {pipeline_mode = #tpu.pipeline_mode<synchronous>, transform_indices = @transform_4, window_bounds = array<i64: 1, 128>}, {transform_indices = @transform_5, window_bounds = array<i64: 1000, 128>}]} {
    %get3A = arith.constant 0 : index
    %get3A_0 = arith.constant 0 : index
    %get3A_1 = vector.load %arg3[%get3A, %get3A_0] : memref<1000x128xf32, #tpu.memory_space<vmem>>, vector<1000x128xf32>
    %get3A_2 = arith.constant 0 : index
    %get3A_3 = arith.constant 0 : index
    %get3A_4 = vector.load %arg4[%get3A_2, %get3A_3] : memref<1000x128xf32, #tpu.memory_space<vmem>>, vector<1000x128xf32>
    %slice3A = vector.extract_strided_slice %get3A_1 {offsets = [0, 1], sizes = [1000, 1], strides = [1, 1]} : vector<1000x128xf32> to vector<1000x1xf32>
    %slice3A_5 = vector.extract_strided_slice %get3A_4 {offsets = [0, 1], sizes = [1000, 1], strides = [1, 1]} : vector<1000x128xf32> to vector<1000x1xf32>
    %add3A = arith.addf %slice3A, %slice3A_5 : vector<1000x1xf32>
    %max3A = arith.constant 1.000000e+00 : f32
    %max3A_6 = vector.broadcast %max3A : f32 to vector<1000x1xf32>
    %max3A_7 = arith.maximumf %add3A, %max3A_6 : vector<1000x1xf32>
    %rsqrt3A = math.rsqrt %max3A_7 : vector<1000x1xf32>
    %get3A_8 = arith.constant 0 : index
    %get3A_9 = arith.constant 0 : index
    %get3A_10 = vector.load %arg1[%get3A_8, %get3A_9] : memref<1000x128xf32, #tpu.memory_space<vmem>>, vector<1000x128xf32>
    %get3A_11 = arith.constant 0 : index
    %get3A_12 = arith.constant 0 : index
    %get3A_13 = vector.load %arg2[%get3A_11, %get3A_12] : memref<1000x128xf32, #tpu.memory_space<vmem>>, vector<1000x128xf32>
    %add3A_14 = arith.addf %get3A_10, %get3A_13 : vector<1000x128xf32>
    %mul3A = vector.broadcast %rsqrt3A : vector<1000x1xf32> to vector<1000x128xf32>
    %mul3A_15 = arith.mulf %add3A_14, %mul3A : vector<1000x128xf32>
    %get3A_16 = arith.constant 0 : index
    %get3A_17 = arith.constant 0 : index
    %get3A_18 = vector.load %arg5[%get3A_16, %get3A_17] : memref<1x128xf32, #tpu.memory_space<vmem>>, vector<1x128xf32>
    %add3A_19 = vector.broadcast %get3A_18 : vector<1x128xf32> to vector<1000x128xf32>
    %add3A_20 = arith.addf %mul3A_15, %add3A_19 : vector<1000x128xf32>
    %max3A_21 = arith.constant 0.000000e+00 : f32
    %max3A_22 = vector.broadcast %max3A_21 : f32 to vector<1000x128xf32>
    %max3A_23 = arith.maximumf %add3A_20, %max3A_22 : vector<1000x128xf32>
    %swap3A = arith.constant 0 : index
    %swap3A_24 = arith.constant 0 : index
    %swap3A_25 = vector.load %arg6[%swap3A, %swap3A_24] : memref<1000x128xf32, #tpu.memory_space<vmem>>, vector<1000x128xf32>
    tpu.vector_store %arg6[%swap3A, %swap3A_24], %max3A_23 {strides = array<i32>} : memref<1000x128xf32, #tpu.memory_space<vmem>>, vector<1000x128xf32>,
    return
  }
  func.func @transform_0(%arg0: i32) -> (i32, i32) {
    %c0_i32 = arith.constant 0 : i32
    %c0_i32_0 = arith.constant 0 : i32
    return %arg0, %c0_i32 : i32, i32
  }
  func.func @transform_1(%arg0: i32) -> (i32, i32) {
    %add3A = arith.constant 10 : i32
    %add3A_0 = arith.addi %add3A, %arg0 : i32
    %c0_i32 = arith.constant 0 : i32
    %c0_i32_1 = arith.constant 0 : i32
    return %add3A_0, %c0_i32 : i32, i32
  }
  func.func @transform_2(%arg0: i32) -> (i32, i32) {
    %c0_i32 = arith.constant 0 : i32
    %c0_i32_0 = arith.constant 0 : i32
    return %arg0, %c0_i32 : i32, i32
  }
  func.func @transform_3(%arg0: i32) -> (i32, i32) {
    %add3A = arith.constant 10 : i32
    %add3A_0 = arith.addi %add3A, %arg0 : i32
    %c0_i32 = arith.constant 0 : i32
    %c0_i32_1 = arith.constant 0 : i32
    return %add3A_0, %c0_i32 : i32, i32
  }
  func.func @transform_4(%arg0: i32) -> (i32, i32) {
    %c0_i32 = arith.constant 0 : i32
    %c0_i32_0 = arith.constant 0 : i32
    %c0_i32_1 = arith.constant 0 : i32
    return %c0_i32, %c0_i32_0 : i32, i32
  }
  func.func @transform_5(%arg0: i32) -> (i32, i32) {
    %c0_i32 = arith.constant 0 : i32
    %c0_i32_0 = arith.constant 0 : i32
    return %arg0, %c0_i32 : i32, i32
  }
}

</mosaic_0001>

<sc_bundles>
// kernel: kernel.11.cloned.1.call-start
scs
__scs_entry_jumppad:
0x0: {  	(pc) =	sbr.rel $0x88, $3  }
0x1: {  	(tag) =	ssettag $0x0;
	lr =	simm.s32 $0x1  }
0x2: {  	[smem:$0x3F9B] =	sst lr;
	_ =	strace $0xD0000000  }
0x3: {  	_ = 	snop  }
0x4: {  	_ = 	snop  }
0x5: {  	_ = 	snop  }
0x6: {  	_ = 	snop  }
0x7: {  	_ = 	snop  }
__scs_overlays_trampoline_lowered:
0x8: {  	[smem:$0x3FAA] =	sst s0  }
0x9: {  	[smem:$0x3FAB] =	sst s1  }
0xa: {  	[smem:$0x3FAC] =	sst s2  }
0xb: {  	[smem:$0x3FAD] =	sst s3  }
0xc: {  	[smem:$0x3FAE] =	sst s4  }
0xd: {  	[smem:$0x3FAF] =	sst s5  }
0xe: {  	[smem:$0x3FB0] =	sst s6  }
0xf: {  	[smem:$0x3FB1] =	sst s7  }
0x10: {  	[smem:$0x3FB2] =	sst s8  }
0x11: {  	[smem:$0x3FB3] =	sst s9;
	s0 =	simm.s32 @!p0 $0x0  }
0x12: {  	s1 =	sld [smem:$0x3F99];
	s0 =	simm.s32 @p0 $0x1  }
0x13: {  	[smem:$0x3FB4] =	sst s0;
	s0 =	simm.s32 @!p1 $0x0  }
0x14: {  	s2 =	sld [smem:$0x3F98];
	s0 =	simm.s32 @p1 $0x1  }
0x15: {  	[smem:$0x3FB5] =	sst s0;
	s0 =	simm.s32 @!p2 $0x0  }
0x16: {  	s3 =	sld [smem:$0x3FDB];
	s0 =	simm.s32 @p2 $0x1  }
0x17: {  	s4 =	simm.s32 $0x1BF5;
	[smem:$0x3FB7] =	sst s0  }
0x18: {  	s0 =	sld [smem:$0x3F9A];
	_ =	swait.ge [sflag:s4], $0x0  }
0x19: {  	s7 =	sld [smem:$0x3F9B]  }
0x1a: {  	s8 =	sadd.s32 $0xFFFFE003, lr  }
0x1b: {  	s9 =	sadd.s32 $0xFFFFFEF7, lr;
	s5 =	simm.s32 $0xFFFFFFFF;
	p2 =	slt.u32 s8, $0xFFFFF086  }
0x1c: {  	p1 =	slt.u32 s9, $0xF7A;
	s5 =	simm.s32 @!p2 $0x0  }
0x1d: {  	s5 =	simm.s32 @p1 $0x1;
	p0 =	seq.s32 s7, s2  }
0x1e: {  	s7 =	smul.u32 @!p0 $0xF7A, s2;
	p2 =	seq.s32 @!p0 s5, $0x0  }
0x1f: {  	s9 =	smul.u32 $0xF7A, s1;
	s8 =	simm.s32 @!p0 $0x1BF5;
	p2 =	por !p2, p0  }
0x20: {  	[sflag:s8] =	ssyncset.s32 @!p0 $0xFFFFF086;
	s6 =	sadd.s32 @!p0 s3, s7;
	s7 =	simm.s32 @!p0 $0x108  }
0x21: {  	s3 =	sadd.s32 s3, s9;
	s6 =	sadd.s32 @!p0 $0x88, s6;
	s7 =	simm.s32 @p2 $0x1082  }
0x22: {  	[simem:s7], [sflag:s8] =	dma.local @!p0 [hbm:s6], $0xF7A  }
0x23: {  	s9 =	sor.u32 $0xD0000000, s2;
	s6 =	simm.s32 $0x108;
	_ =	swait.ge @!p0 [sflag:s8], $0x0  }
0x24: {  	s3 =	sadd.s32 $0x88, s3;
	s6 =	simm.s32 @!p1 $0x1082;
	[sflag:s4] =	ssyncset.s32 $0xFFFFF086  }
0x25: {  	[simem:s6], [sflag:s4] =	dma.local [hbm:s3], $0xF7A  }
0x26: {  	[smem:$0x3F9B] =	sst s1;
	(tag) =	ssettag s2;
	_ =	strace s9  }
0x27: {  	s1 =	sld [smem:$0x3FAB]  }
0x28: {  	s2 =	sld [smem:$0x3FAC]  }
0x29: {  	s4 =	sld [smem:$0x3FAE]  }
0x2a: {  	p0 =	seq.s32 s5, $0x0;
	s5 =	sld [smem:$0x3FAF]  }
0x2b: {  	s6 =	sld [smem:$0x3FB0]  }
0x2c: {  	s7 =	sld [smem:$0x3FB1]  }
0x2d: {  	s3 =	simm.s32 $0x108;
	s8 =	sld [smem:$0x3FB2]  }
0x2e: {  	s3 =	simm.s32 @!p0 $0x1082;
	s9 =	sld [smem:$0x3FB3]  }
0x2f: {  	lr =	sadd.s32 s0, s3;
	s0 =	sld [smem:$0x3FAA]  }
0x30: {  	s3 =	sld [smem:$0x3FAD]  }
0x31: {  	[smem:$0x3FB6] =	sst s10  }
0x32: {  	s10 =	sld [smem:$0x3FB4];
	_ =	sdelay $0x3  }
0x33: {  	p0 =	seq.s32 s10, $0x1;
	s10 =	sld [smem:$0x3FB6];
	_ =	sdelay $0x3  }
0x34: {  	[smem:$0x3FB6] =	sst s10  }
0x35: {  	s10 =	sld [smem:$0x3FB5];
	_ =	sdelay $0x3  }
0x36: {  	p1 =	seq.s32 s10, $0x1;
	s10 =	sld [smem:$0x3FB6];
	_ =	sdelay $0x3  }
0x37: {  	[smem:$0x3FB6] =	sst s10  }
0x38: {  	s10 =	sld [smem:$0x3FB7]  }
0x39: {  	_ = 	snop;
	(pc) =	sbr.ind lr, $3  }
0x3a: {  	_ = 	snop  }
0x3b: {  	_ = 	snop  }
0x3c: {  	p2 =	seq.s32 s10, $0x1;
	s10 =	sld [smem:$0x3FB6]  }
0x3d: {  	_ =	shalt  }
0x3e: {  	_ =	shalt  }
0x3f: {  	_ =	shalt  }
0x40: {  	_ =	shalt  }
0x41: {  	_ =	shalt  }
0x42: {  	_ =	shalt  }
0x43: {  	_ =	shalt  }
0x44: {  	_ =	shalt  }
0x45: {  	_ =	shalt  }
0x46: {  	_ =	shalt  }
0x47: {  	_ =	shalt  }
0x48: {  	_ =	shalt  }
0x49: {  	_ =	shalt  }
0x4a: {  	_ =	shalt  }
0x4b: {  	_ =	shalt  }
0x4c: {  	_ =	shalt  }
0x4d: {  	_ =	shalt  }
0x4e: {  	_ =	shalt  }
0x4f: {  	_ =	shalt  }
0x50: {  	_ =	shalt  }
0x51: {  	_ =	shalt  }
0x52: {  	_ =	shalt  }
0x53: {  	_ =	shalt  }
0x54: {  	_ =	shalt  }
0x55: {  	_ =	shalt  }
0x56: {  	_ =	shalt  }
0x57: {  	_ =	shalt  }
0x58: {  	_ =	shalt  }
0x59: {  	_ =	shalt  }
0x5a: {  	_ =	shalt  }
0x5b: {  	_ =	shalt  }
0x5c: {  	_ =	shalt  }
0x5d: {  	_ =	shalt  }
0x5e: {  	_ =	shalt  }
0x5f: {  	_ =	shalt  }
0x60: {  	_ =	shalt  }
0x61: {  	_ =	shalt  }
0x62: {  	_ =	shalt  }
0x63: {  	_ =	shalt  }
0x64: {  	_ =	shalt  }
0x65: {  	_ =	shalt  }
0x66: {  	_ =	shalt  }
0x67: {  	_ =	shalt  }
0x68: {  	_ =	shalt  }
0x69: {  	_ =	shalt  }
0x6a: {  	_ =	shalt  }
0x6b: {  	_ =	shalt  }
0x6c: {  	_ =	shalt  }
0x6d: {  	_ =	shalt  }
0x6e: {  	_ =	shalt  }
0x6f: {  	_ =	shalt  }
0x70: {  	_ =	shalt  }
0x71: {  	_ =	shalt  }
0x72: {  	_ =	shalt  }
0x73: {  	_ =	shalt  }
0x74: {  	_ =	shalt  }
0x75: {  	_ =	shalt  }
0x76: {  	_ =	shalt  }
0x77: {  	_ =	shalt  }
0x78: {  	_ =	shalt  }
0x79: {  	_ =	shalt  }
0x7a: {  	_ =	shalt  }
0x7b: {  	_ =	shalt  }
0x7c: {  	_ =	shalt  }
0x7d: {  	_ =	shalt  }
0x7e: {  	_ =	shalt  }
0x7f: {  	_ =	shalt  }
0x80: {  	_ =	shalt  }
0x81: {  	_ =	shalt  }
0x82: {  	_ =	shalt  }
0x83: {  	_ =	shalt  }
0x84: {  	_ =	shalt  }
0x85: {  	_ =	shalt  }
0x86: {  	_ =	shalt  }
0x87: {  	_ =	shalt  }
.Lfunc_end0:
.L_simem_size_0:
called_computation.1_lowered:
.L_overlay_start_0:
0x88: {  	s2 =	sld [smem:$0x3FD9]  }
0x89: {  	s3 =	sld [smem:$0x3FFE];
	_ =	sdelay $0x1  }
0x8a: {  	s1 =	srdreg.scid  }
0x8b: {  	s0 =	sand.u32 $0x1, s1  }
0x8c: {  	s17 =	sshll.u32 s0, $0xA;
	s2 =	sadd.s32 s3, s2  }
0x8d: {  	s2 =	sadd.s32 s2, s17  }
0x8e: {  	[smem:$0x3FC2] =	sst s2  }
0x8f: {  	_ = 	snop  }
0x90: {  	s2 =	sld [smem:$0x3FD0];
	(tm) =	ssettm $0x1  }
0x91: {  	s18 =	sld [smem:$0x3FFB];
	_ =	sdelay $0x3  }
0x92: {  	_ =	strace s18  }
0x93: {  	s3 =	sld [smem:$0x3FFC];
	_ =	sdelay $0x3  }
0x94: {  	_ =	strace s3  }
0x95: {  	s3 =	sld [smem:$0x3FFD];
	_ =	sdelay $0x3  }
0x96: {  	_ =	strace s3  }
0x97: {  	_ =	strace $0x8FFFFFFF  }
0x98: {  	s19 =	sld [smem:$0x3FDB];
	_ =	sdelay $0x1  }
0x99: {  	s4 =	simm.s32 $_scs_section_size  }
0x9a: {  	s5 =	simm.s32 $_size__tile_overlayer_lowered;
	s6 =	simm.s32 $_tile_overlayer_lowered  }
0x9b: {  	s22 =	simm.s32 $0x1BFF;
	s21 =	sshll.u32 s6, $0x1;
	s3 =	sadd.s32 s4, s19  }
0x9c: {  	s7 =	simm.s32 $0x0;
	s20 =	sshll.u32 s5, $0x1;
	s5 =	sadd.s32 s21, s3  }
0x9d: {  	[timem:s7], [sflag:s22] =	dma.local [hbm:s5], s20  }
0x9e: {  	_ =	swait.ge [sflag:s22], s20  }
0x9f: {  	s4 =	ssub.s32 $0x0, s20;
	[sflag:s22] =	ssyncset.done $0x0  }
0xa0: {  	[sflag:s22] =	ssyncadd.s32 s4;
	_ =	sdelay $0x1  }
0xa1: {  	s23 =	simm.s32 $0x1B8B  }
0xa2: {  	_ =	swait.ge [sflag:s23], $0x1  }
0xa3: {  	[sflag:s23] =	ssyncset.done $0x0  }
0xa4: {  	s25 =	simm.s32 $0x1B8E;
	s24 =	sld [smem:$0x3FFE];
	[sflag:s23] =	ssyncadd.s32 $0xFFFFFFFF  }
0xa5: {  	s26 =	simm.s32 $execute0_lowered;
	[smem:$0x3FD2] =	sst s25  }
0xa6: {  	s5 =	sshll.u32 s26, $0x1;
	_ =	strace $0x80000049;
	[dreg:$0x1] =	wrdreg $0xFFFFFFFF  }
0xa7: {  	s28 =	simm.s32 $_size_execute0_lowered;
	s3 =	sadd.s32 s3, s5;
	[dreg:$0x0] =	wrdreg $0x0  }
0xa8: {  	s5 =	sshll.u32 s28, $0x1;
	[dreg:$0x2] =	wrdreg s3  }
0xa9: {  	[dreg:$0x3] =	wrdreg s5  }
0xaa: {  	[dreg:$0x4] =	wrdreg $0xC0  }
0xab: {  	_ =	task [dreg:s7], $0x5FFFF  }
0xac: {  	[dreg:$0x1] =	wrdreg $0xFFFFFFFF  }
0xad: {  	[dreg:$0x0] =	wrdreg $0x60  }
0xae: {  	[dreg:$0x2] =	wrdreg s24  }
0xaf: {  	[dreg:$0x3] =	wrdreg s2  }
0xb0: {  	[dreg:$0x4] =	wrdreg $0x8D000  }
0xb1: {  	[dreg:$0x5] =	wrdreg $0x9  }
0xb2: {  	_ =	task.clear_ibuf [dreg:s7], $0x6FFFF;
	_ =	strace $0x90000049  }
0xb3: {  	s29 =	simm.s32 $0x9;
	_ =	strace $0x8000004B  }
0xb4: {  	_ =	swait.ge [sflag:s29], $0x1  }
0xb5: {  	[sflag:s29] =	ssyncadd.s32 $0xFFFFFFFF  }
0xb6: {  	_ =	strace $0x9000004B  }
0xb7: {  	_ =	sfence  }
0xb8: {  	s30 =	sld [smem:$0x0];
	_ =	sdelay $0x2  }
0xb9: {  	s31 =	sshll.u32 s1, $0xD;
	s1 =	sshrl.u32 s1, $0x2  }
0xba: {  	s3 =	sand.u32 $0x4000, s31;
	s1 =	sadd.s32 s1, s30  }
0xbb: {  	s0 =	sor.u32 s3, s0;
	s1 =	sshll.u32 s1, $0x11  }
0xbc: {  	s0 =	sor.u32 s1, s0  }
0xbd: {  	s0 =	sadd.s32 $0x8F2B, s0  }
0xbe: {  	[sflag:s0] =	ssyncadd.remote.s32 $0x1  }
0xbf: {  	_ =	sfence.sel $0xFFFF  }
0xc0: {  	[dreg:$0x0] =	wrdreg $0xFFFFFFFF;
	(pc) =	sbr.abs _section_cstart, $3  }
0xc1: {  	[dreg:$0x1] =	wrdreg $0xFFFFFFFF  }
0xc2: {  	_ =	task.clear_ibuf [dreg:s7], $0x2FFFF;
	_ =	strace $0x9FFFFFFF  }
0xc3: {  	(tm) =	ssettm $0x7FFFFFFF  }
tec
execute0_lowered:
.L_overlay_start_1:
0x0: {  	(tag) =	ssettag $0x1  }
0x1: {  	s6 =	rddreg [dreg:$0x0];
	s1 =	stileid.u32  }
0x2: {  	s15 =	rddreg [dreg:$0x1];
	s5 =	smul.u32 $0x9C4, s1  }
0x3: {  	s4 =	srdreg.scid;
	s24 =	smul.u32 $0x19000, s1  }
0x4: {  	s2 =	rddreg [dreg:$0x2];
	s7 =	sand.u32 $0x1, s4;
	s19 =	smul.u32 $0xC80, s1  }
0x5: {  	s0 =	rddreg [dreg:$0x3];
	s9 =	sor.u32 $0x10, s1;
	s8 =	smul.u32 $0x27100, s7  }
0x6: {  	s3 =	simm.s32 $0x0;
	s12 =	sor.u32 $0x20, s1;
	s11 =	smul.u32 $0x19000, s9  }
0x7: {  	s22 =	simm.s32 $0x1;
	s17 =	sor.u32 $0x30, s1;
	s14 =	smul.u32 $0x19000, s12  }
0x8: {  	s23 =	simm.s32 $0x3;
	[smem:$0x7FF] =	sst s3;
	s25 =	smul.u32 $0x19000, s17  }
0x9: {  	s4 =	sadd.s32 $0x65600, s6;
	_ =	strace $0x8000004A;
	s20 =	smul.u32 $0xC80, s9  }
0xa: {  	s10 =	ssub.s32 $0x2, s7;
	p0 =	seq.s32 s7, $0x1;
	s21 =	smul.u32 $0xC80, s12  }
0xb: {  	s31 =	smul.u32 $0xC80, s17;
	s16 =	sadd.s32 s5, s6;
	s5 =	sadd.s32 $0x16600, s6  }
0xc: {  	s13 =	sshrl.u32 s10, $0x1;
	s26 =	sshrl.u32 s24, $0x2;
	s4 =	smov.u32 @p0 s15  }
0xd: {  	p0 =	sgt.u32 s17, $0x31;
	s17 =	simm.s32 $0x2900;
	s24 =	simm.s32 $0x0  }
0xe: {  	s6 =	sadd.s32 s8, s6;
	s10 =	ssub.s32 s10, s13;
	s28 =	sshrl.u32 s11, $0x2  }
0xf: {  	s7 =	sadd.s32 s26, s2;
	s29 =	sshrl.u32 s14, $0x2;
	s30 =	sshrl.u32 s25, $0x2  }
0x10: {  	s15 =	sadd.s32 $0xC800, s16;
	s16 =	sadd.s32 $0x2A00, s16;
	s18 =	sadd.s32 $0x8C800, s6  }
0x11: {  	s6 =	smax.u32 s10, $0x1;
	s8 =	sadd.s32 s28, s2;
	s9 =	sadd.s32 s29, s2  }
0x12: {  	s10 =	sadd.s32 s30, s2;
	s11 =	sadd.s32 s18, s19;
	s12 =	sadd.s32 s18, s20  }
0x13: {  	s13 =	sadd.s32 s18, s21;
	s14 =	sadd.s32 s18, s31;
	s18 =	simm.s32 $0x2  }
0x14: {  	s19 =	simm.s32 $0x50;
	s20 =	simm.s32 $0x100;
	s21 =	simm.s32 $0x80  }
.LBB2_1:
0x15: {  	[tilespmem:s17], [sflag:$0x2] =	stream.linear.gather [hbm4b:s5+s3], $0x6400, $0x38;
	[tilespmem:$0x1C580] =	vst v63  }
0x16: {  	_ =	swait.ge [sflag:s18], $0x6400  }
0x17: {  	[sflag:s18] =	ssyncset.done $0x0  }
0x18: {  	[sflag:s18] =	ssyncadd.s32 $0xFFFF9C00  }
0x19: {  	[spmem:s7] =	stream.linear.scatter [tilespmem:s17], [sflag:$0x2], $0x6400, $0x38;
	[tilespmem:$0x1C580] =	vst v63  }
0x1a: {  	_ =	swait.ge [sflag:s18], $0x6400  }
0x1b: {  	[sflag:s18] =	ssyncset.done $0x0  }
0x1c: {  	[sflag:s18] =	ssyncadd.s32 $0xFFFF9C00  }
0x1d: {  	[spmem:s8] =	stream.linear.scatter [tilespmem:s17], [sflag:$0x2], $0x6400, $0x38;
	[tilespmem:$0x1C580] =	vst v63  }
0x1e: {  	_ =	swait.ge [sflag:s18], $0x6400  }
0x1f: {  	[sflag:s18] =	ssyncset.done $0x0  }
0x20: {  	[sflag:s18] =	ssyncadd.s32 $0xFFFF9C00  }
0x21: {  	[spmem:s9] =	stream.linear.scatter [tilespmem:s17], [sflag:$0x2], $0x6400, $0x38;
	[tilespmem:$0x1C580] =	vst v63  }
0x22: {  	_ =	swait.ge [sflag:s18], $0x6400  }
0x23: {  	[sflag:s18] =	ssyncset.done $0x0  }
0x24: {  	s25 =	simm.s32 @!p0 $0x2900;
	[sflag:s18] =	ssyncadd.s32 $0xFFFF9C00  }
0x25: {  	[spmem:s10] =	stream.linear.scatter @!p0 [tilespmem:s25], [sflag:$0x2], $0x6400, $0x38;
	[tilespmem:$0x1C580] =	vst v63  }
0x26: {  	s25 =	simm.s32 @!p0 $0x2  }
0x27: {  	_ =	swait.ge @!p0 [sflag:s25], $0x6400  }
0x28: {  	[sflag:s25] =	ssyncset.done @!p0 $0x0  }
0x29: {  	[sflag:s25] =	ssyncadd.s32 @!p0 $0xFFFF9C00  }
0x2a: {  	s30 =	sadd.s32 $0x0, s15;
	[bflag:$0x0] =	sbarrier.arrive $0xFFFF  }
0x2b: {  	[tilespmem:s3], [sflag:$0x2] =	stream.linear.gather [hbm4b:s30+s3], $0x50, $0x38;
	[tilespmem:$0x1C580] =	vst v63  }
0x2c: {  	_ =	swait.ge [sflag:s18], $0x50  }
0x2d: {  	[sflag:s18] =	ssyncset.done $0x0  }
0x2e: {  	[sflag:s18] =	ssyncadd.s32 $0xFFFFFFB0  }
0x2f: {  	[tilespmem:s20], [sflag:$0x1] =	stream.indirect.gather [hbm4b:s4+s19], $0x80, s3, s19, $0xb8;
	[tilespmem:$0x1C580] =	vst v63  }
0x30: {  	s31 =	sadd.s32 $0x0, s16  }
0x31: {  	[tilespmem:s21], [sflag:$0x2] =	stream.linear.gather [hbm4b:s31+s3], $0x50, $0x38;
	[tilespmem:$0x1C580] =	vst v63  }
0x32: {  	_ =	swait.ge [sflag:s18], $0x50  }
0x33: {  	[sflag:s18] =	ssyncset.done $0x0  }
0x34: {  	[sflag:s18] =	ssyncadd.s32 $0xFFFFFFB0  }
0x35: {  	_ =	swait.ge [sflag:s22], $0x2800  }
0x36: {  	[sflag:s22] =	ssyncset.done $0x0  }
0x37: {  	[sflag:s22] =	ssyncadd.s32 $0xFFFFD800  }
0x38: {  	[spmem:s2] =	stream.indirect.scatter.add.f32 [tilespmem:s20], [sflag:$0x2], $0x80, s21, s19, $0xb8;
	[tilespmem:$0x1C580] =	vst v63  }
0x39: {  	_ =	swait.ge [sflag:s18], $0x2800  }
0x3a: {  	s26 =	simm.s32 $0x14;
	s25 =	simm.s32 $0xA;
	[sflag:s18] =	ssyncset.done $0x0  }
.LBB2_2:
0x3b: {  	s28 =	sadd.s32 s25, s15  }
0x3c: {  	[sflag:s18] =	ssyncadd.s32 $0xFFFFD800;
	s29 =	smov.u32 s26;
	s30 =	sadd.s32 $0xA, s26  }
0x3d: {  	[tilespmem:s3], [sflag:$0x2] =	stream.linear.gather [hbm4b:s28+s3], $0x50, $0x38;
	[tilespmem:$0x1C580] =	vst v63  }
0x3e: {  	p1 =	sne.s32 s26, $0x9BA;
	_ =	swait.ge [sflag:s18], $0x50  }
0x3f: {  	[sflag:s18] =	ssyncset.done $0x0  }
0x40: {  	[sflag:s18] =	ssyncadd.s32 $0xFFFFFFB0  }
0x41: {  	[tilespmem:s20], [sflag:$0x1] =	stream.indirect.gather [hbm4b:s4+s19], $0x80, s3, s19, $0xb8;
	[tilespmem:$0x1C580] =	vst v63  }
0x42: {  	s26 =	sadd.s32 s25, s16;
	s25 =	smov.u32 s29  }
0x43: {  	[tilespmem:s21], [sflag:$0x2] =	stream.linear.gather [hbm4b:s26+s3], $0x50, $0x38;
	[tilespmem:$0x1C580] =	vst v63  }
0x44: {  	_ =	swait.ge [sflag:s18], $0x50  }
0x45: {  	[sflag:s18] =	ssyncset.done $0x0  }
0x46: {  	[sflag:s18] =	ssyncadd.s32 $0xFFFFFFB0  }
0x47: {  	_ =	swait.ge [sflag:s22], $0x2800  }
.Ltmp0:
0x48: {  	[sflag:s22] =	ssyncset.done $0x0;
	(pc) =	sbr.rel @p1 .LBB2_2-.Ltmp0, $4  }
0x49: {  	[sflag:s22] =	ssyncadd.s32 $0xFFFFD800  }
0x4a: {  	[spmem:s2] =	stream.indirect.scatter.add.f32 [tilespmem:s20], [sflag:$0x2], $0x80, s21, s19, $0xb8;
	[tilespmem:$0x1C580] =	vst v63  }
0x4b: {  	_ =	swait.ge [sflag:s18], $0x2800  }
0x4c: {  	s26 =	smov.u32 s30;
	[sflag:s18] =	ssyncset.done $0x0  }
0x4d: {  	s26 =	sadd.s32 s25, s15;
	[sflag:s18] =	ssyncadd.s32 $0xFFFFD800  }
0x4e: {  	[tilespmem:s3], [sflag:$0x2] =	stream.linear.gather [hbm4b:s26+s3], $0x50, $0x38;
	[tilespmem:$0x1C580] =	vst v63  }
0x4f: {  	_ =	swait.ge [sflag:s18], $0x50  }
0x50: {  	[sflag:s18] =	ssyncset.done $0x0  }
0x51: {  	[sflag:s18] =	ssyncadd.s32 $0xFFFFFFB0  }
0x52: {  	[tilespmem:s20], [sflag:$0x1] =	stream.indirect.gather [hbm4b:s4+s19], $0x80, s3, s19, $0xb8;
	[tilespmem:$0x1C580] =	vst v63  }
0x53: {  	s31 =	sadd.s32 s25, s16  }
0x54: {  	[tilespmem:s21], [sflag:$0x2] =	stream.linear.gather [hbm4b:s31+s3], $0x50, $0x38;
	[tilespmem:$0x1C580] =	vst v63  }
0x55: {  	_ =	swait.ge [sflag:s18], $0x50  }
0x56: {  	[sflag:s18] =	ssyncset.done $0x0  }
0x57: {  	[sflag:s18] =	ssyncadd.s32 $0xFFFFFFB0  }
0x58: {  	_ =	swait.ge [sflag:s22], $0x2800  }
0x59: {  	[sflag:s22] =	ssyncset.done $0x0  }
0x5a: {  	[sflag:s22] =	ssyncadd.s32 $0xFFFFD800  }
0x5b: {  	[spmem:s2] =	stream.indirect.scatter.add.f32 [tilespmem:s20], [sflag:$0x2], $0x80, s21, s19, $0xb8;
	[tilespmem:$0x1C580] =	vst v63  }
0x5c: {  	_ =	swait.ge [sflag:s18], $0x2800  }
0x5d: {  	[sflag:s18] =	ssyncset.done $0x0  }
0x5e: {  	[sflag:s18] =	ssyncadd.s32 $0xFFFFD800  }
0x5f: {  	[bflag:$0x0] =	sbarrier.arrive $0xFFFF  }
0x60: {  	[tilespmem:s17], [sflag:$0x3] =	stream.linear.gather [spmem:s7], $0x6400, $0x38;
	[tilespmem:$0x1C580] =	vst v63  }
0x61: {  	_ =	swait.ge [sflag:s23], $0x6400  }
0x62: {  	[sflag:s23] =	ssyncset.done $0x0  }
0x63: {  	[sflag:s23] =	ssyncadd.s32 $0xFFFF9C00  }
0x64: {  	[hbm4b:s11+s3] =	stream.linear.scatter [tilespmem:s17], [sflag:$0x2], $0x6400, $0x38;
	[tilespmem:$0x1C580] =	vst v63  }
0x65: {  	_ =	swait.ge [sflag:s18], $0x6400  }
0x66: {  	[sflag:s18] =	ssyncset.done $0x0  }
0x67: {  	[sflag:s18] =	ssyncadd.s32 $0xFFFF9C00  }
0x68: {  	[tilespmem:s17], [sflag:$0x3] =	stream.linear.gather [spmem:s8], $0x6400, $0x38;
	[tilespmem:$0x1C580] =	vst v63  }
0x69: {  	_ =	swait.ge [sflag:s23], $0x6400  }
0x6a: {  	[sflag:s23] =	ssyncset.done $0x0  }
0x6b: {  	[sflag:s23] =	ssyncadd.s32 $0xFFFF9C00  }
0x6c: {  	[hbm4b:s12+s3] =	stream.linear.scatter [tilespmem:s17], [sflag:$0x2], $0x6400, $0x38;
	[tilespmem:$0x1C580] =	vst v63  }
0x6d: {  	_ =	swait.ge [sflag:s18], $0x6400  }
0x6e: {  	[sflag:s18] =	ssyncset.done $0x0  }
0x6f: {  	[sflag:s18] =	ssyncadd.s32 $0xFFFF9C00  }
0x70: {  	[tilespmem:s17], [sflag:$0x3] =	stream.linear.gather [spmem:s9], $0x6400, $0x38;
	[tilespmem:$0x1C580] =	vst v63  }
0x71: {  	_ =	swait.ge [sflag:s23], $0x6400  }
0x72: {  	[sflag:s23] =	ssyncset.done $0x0  }
0x73: {  	[sflag:s23] =	ssyncadd.s32 $0xFFFF9C00  }
0x74: {  	[hbm4b:s13+s3] =	stream.linear.scatter [tilespmem:s17], [sflag:$0x2], $0x6400, $0x38;
	[tilespmem:$0x1C580] =	vst v63  }
0x75: {  	_ =	swait.ge [sflag:s18], $0x6400  }
0x76: {  	[sflag:s18] =	ssyncset.done $0x0  }
0x77: {  	s25 =	simm.s32 @!p0 $0x2900;
	s26 =	simm.s32 @!p0 $0x3;
	[sflag:s18] =	ssyncadd.s32 $0xFFFF9C00  }
0x78: {  	[tilespmem:s25], [sflag:$0x3] =	stream.linear.gather @!p0 [spmem:s10], $0x6400, $0x38;
	[tilespmem:$0x1C580] =	vst v63  }
0x79: {  	_ =	swait.ge @!p0 [sflag:s26], $0x6400  }
0x7a: {  	s24 =	sadd.s32 $0x1, s24;
	[sflag:s26] =	ssyncset.done @!p0 $0x0  }
0x7b: {  	p1 =	sne.s32 s24, s6;
	[sflag:s26] =	ssyncadd.s32 @!p0 $0xFFFF9C00;
	s26 =	simm.s32 @!p0 $0x0  }
0x7c: {  	[hbm4b:s14+s26] =	stream.linear.scatter @!p0 [tilespmem:s25], [sflag:$0x2], $0x6400, $0x38;
	[tilespmem:$0x1C580] =	vst v63  }
.Ltmp1:
0x7d: {  	_ = 	snop;
	(pc) =	sbr.rel @p1 .LBB2_1-.Ltmp1, $4  }
0x7e: {  	s25 =	simm.s32 @!p0 $0x2  }
0x7f: {  	_ =	swait.ge @!p0 [sflag:s25], $0x6400  }
0x80: {  	[sflag:s25] =	ssyncset.done @!p0 $0x0  }
0x81: {  	[sflag:s25] =	ssyncadd.s32 @!p0 $0xFFFF9C00  }
0x82: {  	_ =	sfence.sel $0x180000  }
0x83: {  	[bflag:$0x0] =	sbarrier.arrive $0xFFFF  }
0x84: {  	p0 =	sne.s32 s1, $0x0;
	_ =	strace $0x9000004A  }
0x85: {  	s0 =	sadd.s32 @!p0 $0x100000, s0;
	[bflag:$0x2] =	sbarrier.arrive $0xFFFF  }
0x86: {  	[sflag:s0] =	ssyncadd.tile.s32 @!p0 $0x1;
	_ =	shalt  }
.Lfunc_end2:
_tile_overlayer_lowered:
.L_overlay_start_2:
0x87: {  	(tag) =	ssettag $0x2  }
0x88: {  	s0 =	rddreg [dreg:$0x0];
	s2 =	stileid.u32  }
0x89: {  	s1 =	rddreg [dreg:$0x1];
	p0 =	sne.s32 s2, $0x0  }
0x8a: {  	s3 =	rddreg [dreg:$0x2];
	[bflag:$0x3] =	sbarrier.arrive $0xFFFF;
	s2 =	simm.s32 @!p0 $0x1C02  }
0x8b: {  	[timem:s3], [sflag:s2] =	dma.local @!p0 [hbm:s0], s1  }
0x8c: {  	s0 =	simm.s32 @!p0 $0x2  }
0x8d: {  	_ =	swait.ge @!p0 [sflag:s0], s1  }
0x8e: {  	s1 =	ssub.s32 @!p0 $0x0, s1;
	[sflag:s0] =	ssyncset.done @!p0 $0x0  }
0x8f: {  	[sflag:s0] =	ssyncadd.s32 @!p0 s1  }
0x90: {  	[bflag:$0x3] =	sbarrier.arrive $0xFFFF  }
0x91: {  	_ =	shalt  }

// kernel: kernel.14.cloned.1.call-start
scs
__scs_entry_jumppad:
0x0: {  	(pc) =	sbr.rel $0x88, $3  }
0x1: {  	(tag) =	ssettag $0x0;
	lr =	simm.s32 $0x1  }
0x2: {  	[smem:$0x3F9B] =	sst lr;
	_ =	strace $0xD0000000  }
0x3: {  	_ = 	snop  }
0x4: {  	_ = 	snop  }
0x5: {  	_ = 	snop  }
0x6: {  	_ = 	snop  }
0x7: {  	_ = 	snop  }
__scs_overlays_trampoline_lowered:
0x8: {  	[smem:$0x3FAA] =	sst s0  }
0x9: {  	[smem:$0x3FAB] =	sst s1  }
0xa: {  	[smem:$0x3FAC] =	sst s2  }
0xb: {  	[smem:$0x3FAD] =	sst s3  }
0xc: {  	[smem:$0x3FAE] =	sst s4  }
0xd: {  	[smem:$0x3FAF] =	sst s5  }
0xe: {  	[smem:$0x3FB0] =	sst s6  }
0xf: {  	[smem:$0x3FB1] =	sst s7  }
0x10: {  	[smem:$0x3FB2] =	sst s8  }
0x11: {  	[smem:$0x3FB3] =	sst s9;
	s0 =	simm.s32 @!p0 $0x0  }
0x12: {  	s1 =	sld [smem:$0x3F99];
	s0 =	simm.s32 @p0 $0x1  }
0x13: {  	[smem:$0x3FB4] =	sst s0;
	s0 =	simm.s32 @!p1 $0x0  }
0x14: {  	s2 =	sld [smem:$0x3F98];
	s0 =	simm.s32 @p1 $0x1  }
0x15: {  	[smem:$0x3FB5] =	sst s0;
	s0 =	simm.s32 @!p2 $0x0  }
0x16: {  	s3 =	sld [smem:$0x3FDB];
	s0 =	simm.s32 @p2 $0x1  }
0x17: {  	s4 =	simm.s32 $0x1BF5;
	[smem:$0x3FB7] =	sst s0  }
0x18: {  	s0 =	sld [smem:$0x3F9A];
	_ =	swait.ge [sflag:s4], $0x0  }
0x19: {  	s7 =	sld [smem:$0x3F9B]  }
0x1a: {  	s8 =	sadd.s32 $0xFFFFE003, lr  }
0x1b: {  	s9 =	sadd.s32 $0xFFFFFEF7, lr;
	s5 =	simm.s32 $0xFFFFFFFF;
	p2 =	slt.u32 s8, $0xFFFFF086  }
0x1c: {  	p1 =	slt.u32 s9, $0xF7A;
	s5 =	simm.s32 @!p2 $0x0  }
0x1d: {  	s5 =	simm.s32 @p1 $0x1;
	p0 =	seq.s32 s7, s2  }
0x1e: {  	s7 =	smul.u32 @!p0 $0xF7A, s2;
	p2 =	seq.s32 @!p0 s5, $0x0  }
0x1f: {  	s9 =	smul.u32 $0xF7A, s1;
	s8 =	simm.s32 @!p0 $0x1BF5;
	p2 =	por !p2, p0  }
0x20: {  	[sflag:s8] =	ssyncset.s32 @!p0 $0xFFFFF086;
	s6 =	sadd.s32 @!p0 s3, s7;
	s7 =	simm.s32 @!p0 $0x108  }
0x21: {  	s3 =	sadd.s32 s3, s9;
	s6 =	sadd.s32 @!p0 $0x88, s6;
	s7 =	simm.s32 @p2 $0x1082  }
0x22: {  	[simem:s7], [sflag:s8] =	dma.local @!p0 [hbm:s6], $0xF7A  }
0x23: {  	s9 =	sor.u32 $0xD0000000, s2;
	s6 =	simm.s32 $0x108;
	_ =	swait.ge @!p0 [sflag:s8], $0x0  }
0x24: {  	s3 =	sadd.s32 $0x88, s3;
	s6 =	simm.s32 @!p1 $0x1082;
	[sflag:s4] =	ssyncset.s32 $0xFFFFF086  }
0x25: {  	[simem:s6], [sflag:s4] =	dma.local [hbm:s3], $0xF7A  }
0x26: {  	[smem:$0x3F9B] =	sst s1;
	(tag) =	ssettag s2;
	_ =	strace s9  }
0x27: {  	s1 =	sld [smem:$0x3FAB]  }
0x28: {  	s2 =	sld [smem:$0x3FAC]  }
0x29: {  	s4 =	sld [smem:$0x3FAE]  }
0x2a: {  	p0 =	seq.s32 s5, $0x0;
	s5 =	sld [smem:$0x3FAF]  }
0x2b: {  	s6 =	sld [smem:$0x3FB0]  }
0x2c: {  	s7 =	sld [smem:$0x3FB1]  }
0x2d: {  	s3 =	simm.s32 $0x108;
	s8 =	sld [smem:$0x3FB2]  }
0x2e: {  	s3 =	simm.s32 @!p0 $0x1082;
	s9 =	sld [smem:$0x3FB3]  }
0x2f: {  	lr =	sadd.s32 s0, s3;
	s0 =	sld [smem:$0x3FAA]  }
0x30: {  	s3 =	sld [smem:$0x3FAD]  }
0x31: {  	[smem:$0x3FB6] =	sst s10  }
0x32: {  	s10 =	sld [smem:$0x3FB4];
	_ =	sdelay $0x3  }
0x33: {  	p0 =	seq.s32 s10, $0x1;
	s10 =	sld [smem:$0x3FB6];
	_ =	sdelay $0x3  }
0x34: {  	[smem:$0x3FB6] =	sst s10  }
0x35: {  	s10 =	sld [smem:$0x3FB5];
	_ =	sdelay $0x3  }
0x36: {  	p1 =	seq.s32 s10, $0x1;
	s10 =	sld [smem:$0x3FB6];
	_ =	sdelay $0x3  }
0x37: {  	[smem:$0x3FB6] =	sst s10  }
0x38: {  	s10 =	sld [smem:$0x3FB7]  }
0x39: {  	_ = 	snop;
	(pc) =	sbr.ind lr, $3  }
0x3a: {  	_ = 	snop  }
0x3b: {  	_ = 	snop  }
0x3c: {  	p2 =	seq.s32 s10, $0x1;
	s10 =	sld [smem:$0x3FB6]  }
0x3d: {  	_ =	shalt  }
0x3e: {  	_ =	shalt  }
0x3f: {  	_ =	shalt  }
0x40: {  	_ =	shalt  }
0x41: {  	_ =	shalt  }
0x42: {  	_ =	shalt  }
0x43: {  	_ =	shalt  }
0x44: {  	_ =	shalt  }
0x45: {  	_ =	shalt  }
0x46: {  	_ =	shalt  }
0x47: {  	_ =	shalt  }
0x48: {  	_ =	shalt  }
0x49: {  	_ =	shalt  }
0x4a: {  	_ =	shalt  }
0x4b: {  	_ =	shalt  }
0x4c: {  	_ =	shalt  }
0x4d: {  	_ =	shalt  }
0x4e: {  	_ =	shalt  }
0x4f: {  	_ =	shalt  }
0x50: {  	_ =	shalt  }
0x51: {  	_ =	shalt  }
0x52: {  	_ =	shalt  }
0x53: {  	_ =	shalt  }
0x54: {  	_ =	shalt  }
0x55: {  	_ =	shalt  }
0x56: {  	_ =	shalt  }
0x57: {  	_ =	shalt  }
0x58: {  	_ =	shalt  }
0x59: {  	_ =	shalt  }
0x5a: {  	_ =	shalt  }
0x5b: {  	_ =	shalt  }
0x5c: {  	_ =	shalt  }
0x5d: {  	_ =	shalt  }
0x5e: {  	_ =	shalt  }
0x5f: {  	_ =	shalt  }
0x60: {  	_ =	shalt  }
0x61: {  	_ =	shalt  }
0x62: {  	_ =	shalt  }
0x63: {  	_ =	shalt  }
0x64: {  	_ =	shalt  }
0x65: {  	_ =	shalt  }
0x66: {  	_ =	shalt  }
0x67: {  	_ =	shalt  }
0x68: {  	_ =	shalt  }
0x69: {  	_ =	shalt  }
0x6a: {  	_ =	shalt  }
0x6b: {  	_ =	shalt  }
0x6c: {  	_ =	shalt  }
0x6d: {  	_ =	shalt  }
0x6e: {  	_ =	shalt  }
0x6f: {  	_ =	shalt  }
0x70: {  	_ =	shalt  }
0x71: {  	_ =	shalt  }
0x72: {  	_ =	shalt  }
0x73: {  	_ =	shalt  }
0x74: {  	_ =	shalt  }
0x75: {  	_ =	shalt  }
0x76: {  	_ =	shalt  }
0x77: {  	_ =	shalt  }
0x78: {  	_ =	shalt  }
0x79: {  	_ =	shalt  }
0x7a: {  	_ =	shalt  }
0x7b: {  	_ =	shalt  }
0x7c: {  	_ =	shalt  }
0x7d: {  	_ =	shalt  }
0x7e: {  	_ =	shalt  }
0x7f: {  	_ =	shalt  }
0x80: {  	_ =	shalt  }
0x81: {  	_ =	shalt  }
0x82: {  	_ =	shalt  }
0x83: {  	_ =	shalt  }
0x84: {  	_ =	shalt  }
0x85: {  	_ =	shalt  }
0x86: {  	_ =	shalt  }
0x87: {  	_ =	shalt  }
.Lfunc_end0:
.L_simem_size_0:
called_computation.2_lowered:
.L_overlay_start_0:
0x88: {  	s2 =	sld [smem:$0x3FD9]  }
0x89: {  	s3 =	sld [smem:$0x3FFE];
	_ =	sdelay $0x1  }
0x8a: {  	s1 =	srdreg.scid  }
0x8b: {  	s0 =	sand.u32 $0x1, s1  }
0x8c: {  	s17 =	sshll.u32 s0, $0xA;
	s2 =	sadd.s32 s3, s2  }
0x8d: {  	s2 =	sadd.s32 s2, s17  }
0x8e: {  	[smem:$0x3FC2] =	sst s2  }
0x8f: {  	_ = 	snop  }
0x90: {  	s2 =	sld [smem:$0x3FD0];
	(tm) =	ssettm $0x1  }
0x91: {  	s18 =	sld [smem:$0x3FFB];
	_ =	sdelay $0x3  }
0x92: {  	_ =	strace s18  }
0x93: {  	s3 =	sld [smem:$0x3FFC];
	_ =	sdelay $0x3  }
0x94: {  	_ =	strace s3  }
0x95: {  	s3 =	sld [smem:$0x3FFD];
	_ =	sdelay $0x3  }
0x96: {  	_ =	strace s3  }
0x97: {  	_ =	strace $0x8FFFFFFF  }
0x98: {  	s19 =	sld [smem:$0x3FDB];
	_ =	sdelay $0x1  }
0x99: {  	s4 =	simm.s32 $_scs_section_size  }
0x9a: {  	s5 =	simm.s32 $_size__tile_overlayer_lowered;
	s6 =	simm.s32 $_tile_overlayer_lowered  }
0x9b: {  	s22 =	simm.s32 $0x1BFF;
	s21 =	sshll.u32 s6, $0x1;
	s3 =	sadd.s32 s4, s19  }
0x9c: {  	s7 =	simm.s32 $0x0;
	s20 =	sshll.u32 s5, $0x1;
	s5 =	sadd.s32 s21, s3  }
0x9d: {  	[timem:s7], [sflag:s22] =	dma.local [hbm:s5], s20  }
0x9e: {  	_ =	swait.ge [sflag:s22], s20  }
0x9f: {  	s4 =	ssub.s32 $0x0, s20;
	[sflag:s22] =	ssyncset.done $0x0  }
0xa0: {  	[sflag:s22] =	ssyncadd.s32 s4;
	_ =	sdelay $0x1  }
0xa1: {  	s23 =	simm.s32 $0x1B8B  }
0xa2: {  	_ =	swait.ge [sflag:s23], $0x1  }
0xa3: {  	[sflag:s23] =	ssyncset.done $0x0  }
0xa4: {  	s25 =	simm.s32 $0x1B8E;
	s24 =	sld [smem:$0x3FFE];
	[sflag:s23] =	ssyncadd.s32 $0xFFFFFFFF  }
0xa5: {  	s26 =	simm.s32 $execute0_lowered;
	[smem:$0x3FD2] =	sst s25  }
0xa6: {  	s5 =	sshll.u32 s26, $0x1;
	_ =	strace $0x8000004C;
	[dreg:$0x1] =	wrdreg $0xFFFFFFFF  }
0xa7: {  	s28 =	simm.s32 $_size_execute0_lowered;
	s3 =	sadd.s32 s3, s5;
	[dreg:$0x0] =	wrdreg $0x0  }
0xa8: {  	s5 =	sshll.u32 s28, $0x1;
	[dreg:$0x2] =	wrdreg s3  }
0xa9: {  	[dreg:$0x3] =	wrdreg s5  }
0xaa: {  	[dreg:$0x4] =	wrdreg $0xC0  }
0xab: {  	_ =	task [dreg:s7], $0x5FFFF  }
0xac: {  	[dreg:$0x1] =	wrdreg $0xFFFFFFFF  }
0xad: {  	[dreg:$0x0] =	wrdreg $0x60  }
0xae: {  	[dreg:$0x2] =	wrdreg s24  }
0xaf: {  	[dreg:$0x3] =	wrdreg s2  }
0xb0: {  	[dreg:$0x4] =	wrdreg $0x8D000  }
0xb1: {  	[dreg:$0x5] =	wrdreg $0x9  }
0xb2: {  	_ =	task.clear_ibuf [dreg:s7], $0x6FFFF;
	_ =	strace $0x9000004C  }
0xb3: {  	s29 =	simm.s32 $0x9;
	_ =	strace $0x8000004E  }
0xb4: {  	_ =	swait.ge [sflag:s29], $0x1  }
0xb5: {  	[sflag:s29] =	ssyncadd.s32 $0xFFFFFFFF  }
0xb6: {  	_ =	strace $0x9000004E  }
0xb7: {  	_ =	sfence  }
0xb8: {  	s30 =	sld [smem:$0x0];
	_ =	sdelay $0x2  }
0xb9: {  	s31 =	sshll.u32 s1, $0xD;
	s1 =	sshrl.u32 s1, $0x2  }
0xba: {  	s3 =	sand.u32 $0x4000, s31;
	s1 =	sadd.s32 s1, s30  }
0xbb: {  	s0 =	sor.u32 s3, s0;
	s1 =	sshll.u32 s1, $0x11  }
0xbc: {  	s0 =	sor.u32 s1, s0  }
0xbd: {  	s0 =	sadd.s32 $0x8F2B, s0  }
0xbe: {  	[sflag:s0] =	ssyncadd.remote.s32 $0x1  }
0xbf: {  	_ =	sfence.sel $0xFFFF  }
0xc0: {  	[dreg:$0x0] =	wrdreg $0xFFFFFFFF;
	(pc) =	sbr.abs _section_cstart, $3  }
0xc1: {  	[dreg:$0x1] =	wrdreg $0xFFFFFFFF  }
0xc2: {  	_ =	task.clear_ibuf [dreg:s7], $0x2FFFF;
	_ =	strace $0x9FFFFFFF  }
0xc3: {  	(tm) =	ssettm $0x7FFFFFFF  }
tec
execute0_lowered:
.L_overlay_start_1:
0x0: {  	(tag) =	ssettag $0x1  }
0x1: {  	s4 =	srdreg.scid  }
0x2: {  	s6 =	rddreg [dreg:$0x0];
	s7 =	sand.u32 $0x1, s4  }
0x3: {  	s1 =	rddreg [dreg:$0x1];
	s4 =	smul.u32 $0x4E20, s7  }
0x4: {  	s2 =	rddreg [dreg:$0x2]  }
0x5: {  	s8 =	smul.u32 $0x27100, s7;
	s14 =	sadd.s32 s4, s6;
	s4 =	stileid.u32  }
0x6: {  	s0 =	rddreg [dreg:$0x3];
	s22 =	smul.u32 $0x19000, s4  }
0x7: {  	s3 =	simm.s32 $0x0;
	s20 =	simm.s32 $0x100;
	s16 =	smul.u32 $0xC80, s4  }
0x8: {  	s21 =	simm.s32 $0x80;
	s9 =	sor.u32 $0x10, s4;
	s19 =	smul.u32 $0x4E2, s4  }
0x9: {  	[smem:$0x7FF] =	sst s3;
	s11 =	sor.u32 $0x20, s4;
	s10 =	smul.u32 $0x19000, s9  }
0xa: {  	s5 =	sadd.s32 $0x16600, s6;
	s17 =	sor.u32 $0x30, s4;
	s13 =	smul.u32 $0x19000, s11  }
0xb: {  	_ =	strace $0x8000004D;
	s7 =	ssub.s32 $0x2, s7;
	s23 =	smul.u32 $0x19000, s17  }
0xc: {  	s12 =	sshrl.u32 s7, $0x1;
	s6 =	sadd.s32 s8, s6;
	s18 =	smul.u32 $0xC80, s9  }
0xd: {  	s7 =	ssub.s32 s7, s12;
	s15 =	sadd.s32 $0x65600, s6;
	s28 =	smul.u32 $0xC80, s11  }
0xe: {  	s6 =	smax.u32 s7, $0x1;
	s30 =	smul.u32 $0xC80, s17;
	p0 =	sgt.u32 s17, $0x31  }
0xf: {  	s17 =	simm.s32 $0x2900;
	s24 =	sshrl.u32 s22, $0x2;
	s11 =	sadd.s32 s15, s16  }
0x10: {  	s31 =	sadd.s32 s19, s14;
	s19 =	simm.s32 $0x50;
	s22 =	simm.s32 $0x1  }
0x11: {  	s7 =	sadd.s32 s24, s2;
	s25 =	sshrl.u32 s10, $0x2;
	s26 =	sshrl.u32 s13, $0x2  }
0x12: {  	s29 =	sshrl.u32 s23, $0x2;
	s12 =	sadd.s32 s15, s18;
	s13 =	sadd.s32 s15, s28  }
0x13: {  	s14 =	sadd.s32 s15, s30;
	s15 =	sadd.s32 $0xC800, s31;
	s16 =	sadd.s32 $0x2A00, s31  }
0x14: {  	s18 =	simm.s32 $0x2;
	s23 =	simm.s32 $0x3;
	s24 =	simm.s32 $0x0  }
0x15: {  	s8 =	sadd.s32 s25, s2;
	s9 =	sadd.s32 s26, s2;
	s10 =	sadd.s32 s29, s2  }
.LBB2_1:
0x16: {  	[tilespmem:s17], [sflag:$0x2] =	stream.linear.gather [hbm4b:s5+s3], $0x6400, $0x38;
	[tilespmem:$0x1C580] =	vst v63  }
0x17: {  	_ =	swait.ge [sflag:s18], $0x6400  }
0x18: {  	[sflag:s18] =	ssyncset.done $0x0  }
0x19: {  	[sflag:s18] =	ssyncadd.s32 $0xFFFF9C00  }
0x1a: {  	[spmem:s7] =	stream.linear.scatter [tilespmem:s17], [sflag:$0x2], $0x6400, $0x38;
	[tilespmem:$0x1C580] =	vst v63  }
0x1b: {  	_ =	swait.ge [sflag:s18], $0x6400  }
0x1c: {  	[sflag:s18] =	ssyncset.done $0x0  }
0x1d: {  	[sflag:s18] =	ssyncadd.s32 $0xFFFF9C00  }
0x1e: {  	[spmem:s8] =	stream.linear.scatter [tilespmem:s17], [sflag:$0x2], $0x6400, $0x38;
	[tilespmem:$0x1C580] =	vst v63  }
0x1f: {  	_ =	swait.ge [sflag:s18], $0x6400  }
0x20: {  	[sflag:s18] =	ssyncset.done $0x0  }
0x21: {  	[sflag:s18] =	ssyncadd.s32 $0xFFFF9C00  }
0x22: {  	[spmem:s9] =	stream.linear.scatter [tilespmem:s17], [sflag:$0x2], $0x6400, $0x38;
	[tilespmem:$0x1C580] =	vst v63  }
0x23: {  	_ =	swait.ge [sflag:s18], $0x6400  }
0x24: {  	[sflag:s18] =	ssyncset.done $0x0  }
0x25: {  	s25 =	simm.s32 @!p0 $0x2900;
	[sflag:s18] =	ssyncadd.s32 $0xFFFF9C00  }
0x26: {  	[spmem:s10] =	stream.linear.scatter @!p0 [tilespmem:s25], [sflag:$0x2], $0x6400, $0x38;
	[tilespmem:$0x1C580] =	vst v63  }
0x27: {  	s25 =	simm.s32 @!p0 $0x2  }
0x28: {  	_ =	swait.ge @!p0 [sflag:s25], $0x6400  }
0x29: {  	[sflag:s25] =	ssyncset.done @!p0 $0x0  }
0x2a: {  	[sflag:s25] =	ssyncadd.s32 @!p0 $0xFFFF9C00  }
0x2b: {  	s30 =	sadd.s32 $0x0, s15;
	[bflag:$0x0] =	sbarrier.arrive $0xFFFF  }
0x2c: {  	[tilespmem:s3], [sflag:$0x2] =	stream.linear.gather [hbm4b:s30+s3], $0x50, $0x38;
	[tilespmem:$0x1C580] =	vst v63  }
0x2d: {  	_ =	swait.ge [sflag:s18], $0x50  }
0x2e: {  	[sflag:s18] =	ssyncset.done $0x0  }
0x2f: {  	[sflag:s18] =	ssyncadd.s32 $0xFFFFFFB0  }
0x30: {  	[tilespmem:s20], [sflag:$0x1] =	stream.indirect.gather [hbm4b:s1+s19], $0x80, s3, s19, $0xb8;
	[tilespmem:$0x1C580] =	vst v63  }
0x31: {  	s31 =	sadd.s32 $0x0, s16  }
0x32: {  	[tilespmem:s21], [sflag:$0x2] =	stream.linear.gather [hbm4b:s31+s3], $0x50, $0x38;
	[tilespmem:$0x1C580] =	vst v63  }
0x33: {  	_ =	swait.ge [sflag:s18], $0x50  }
0x34: {  	[sflag:s18] =	ssyncset.done $0x0  }
0x35: {  	[sflag:s18] =	ssyncadd.s32 $0xFFFFFFB0  }
0x36: {  	_ =	swait.ge [sflag:s22], $0x2800  }
0x37: {  	[sflag:s22] =	ssyncset.done $0x0  }
0x38: {  	[sflag:s22] =	ssyncadd.s32 $0xFFFFD800  }
0x39: {  	[spmem:s2] =	stream.indirect.scatter.add.f32 [tilespmem:s20], [sflag:$0x2], $0x80, s21, s19, $0xb8;
	[tilespmem:$0x1C580] =	vst v63  }
0x3a: {  	_ =	swait.ge [sflag:s18], $0x2800  }
0x3b: {  	s26 =	simm.s32 $0x14;
	s25 =	simm.s32 $0xA;
	[sflag:s18] =	ssyncset.done $0x0  }
.LBB2_2:
0x3c: {  	s28 =	sadd.s32 s25, s15  }
0x3d: {  	[sflag:s18] =	ssyncadd.s32 $0xFFFFD800;
	s29 =	smov.u32 s26;
	s30 =	sadd.s32 $0xA, s26  }
0x3e: {  	[tilespmem:s3], [sflag:$0x2] =	stream.linear.gather [hbm4b:s28+s3], $0x50, $0x38;
	[tilespmem:$0x1C580] =	vst v63  }
0x3f: {  	p1 =	sne.s32 s26, $0x4D8;
	_ =	swait.ge [sflag:s18], $0x50  }
0x40: {  	[sflag:s18] =	ssyncset.done $0x0  }
0x41: {  	[sflag:s18] =	ssyncadd.s32 $0xFFFFFFB0  }
0x42: {  	[tilespmem:s20], [sflag:$0x1] =	stream.indirect.gather [hbm4b:s1+s19], $0x80, s3, s19, $0xb8;
	[tilespmem:$0x1C580] =	vst v63  }
0x43: {  	s26 =	sadd.s32 s25, s16;
	s25 =	smov.u32 s29  }
0x44: {  	[tilespmem:s21], [sflag:$0x2] =	stream.linear.gather [hbm4b:s26+s3], $0x50, $0x38;
	[tilespmem:$0x1C580] =	vst v63  }
0x45: {  	_ =	swait.ge [sflag:s18], $0x50  }
0x46: {  	[sflag:s18] =	ssyncset.done $0x0  }
0x47: {  	[sflag:s18] =	ssyncadd.s32 $0xFFFFFFB0  }
0x48: {  	_ =	swait.ge [sflag:s22], $0x2800  }
.Ltmp0:
0x49: {  	[sflag:s22] =	ssyncset.done $0x0;
	(pc) =	sbr.rel @p1 .LBB2_2-.Ltmp0, $4  }
0x4a: {  	[sflag:s22] =	ssyncadd.s32 $0xFFFFD800  }
0x4b: {  	[spmem:s2] =	stream.indirect.scatter.add.f32 [tilespmem:s20], [sflag:$0x2], $0x80, s21, s19, $0xb8;
	[tilespmem:$0x1C580] =	vst v63  }
0x4c: {  	_ =	swait.ge [sflag:s18], $0x2800  }
0x4d: {  	s26 =	smov.u32 s30;
	[sflag:s18] =	ssyncset.done $0x0  }
0x4e: {  	s26 =	sadd.s32 s25, s15;
	[sflag:s18] =	ssyncadd.s32 $0xFFFFD800  }
0x4f: {  	[tilespmem:s3], [sflag:$0x2] =	stream.linear.gather [hbm4b:s26+s3], $0x50, $0x38;
	[tilespmem:$0x1C580] =	vst v63  }
0x50: {  	_ =	swait.ge [sflag:s18], $0x50  }
0x51: {  	[sflag:s18] =	ssyncset.done $0x0  }
0x52: {  	[sflag:s18] =	ssyncadd.s32 $0xFFFFFFB0  }
0x53: {  	[tilespmem:s20], [sflag:$0x1] =	stream.indirect.gather [hbm4b:s1+s19], $0x80, s3, s19, $0xb8;
	[tilespmem:$0x1C580] =	vst v63  }
0x54: {  	s31 =	sadd.s32 s25, s16  }
0x55: {  	[tilespmem:s21], [sflag:$0x2] =	stream.linear.gather [hbm4b:s31+s3], $0x50, $0x38;
	[tilespmem:$0x1C580] =	vst v63  }
0x56: {  	_ =	swait.ge [sflag:s18], $0x50  }
0x57: {  	[sflag:s18] =	ssyncset.done $0x0  }
0x58: {  	[sflag:s18] =	ssyncadd.s32 $0xFFFFFFB0  }
0x59: {  	_ =	swait.ge [sflag:s22], $0x2800  }
0x5a: {  	[sflag:s22] =	ssyncset.done $0x0  }
0x5b: {  	[sflag:s22] =	ssyncadd.s32 $0xFFFFD800  }
0x5c: {  	[spmem:s2] =	stream.indirect.scatter.add.f32 [tilespmem:s20], [sflag:$0x2], $0x80, s21, s19, $0xb8;
	[tilespmem:$0x1C580] =	vst v63  }
0x5d: {  	_ =	swait.ge [sflag:s18], $0x2800  }
0x5e: {  	[sflag:s18] =	ssyncset.done $0x0  }
0x5f: {  	[sflag:s18] =	ssyncadd.s32 $0xFFFFD800  }
0x60: {  	[bflag:$0x0] =	sbarrier.arrive $0xFFFF  }
0x61: {  	[tilespmem:s17], [sflag:$0x3] =	stream.linear.gather [spmem:s7], $0x6400, $0x38;
	[tilespmem:$0x1C580] =	vst v63  }
0x62: {  	_ =	swait.ge [sflag:s23], $0x6400  }
0x63: {  	[sflag:s23] =	ssyncset.done $0x0  }
0x64: {  	[sflag:s23] =	ssyncadd.s32 $0xFFFF9C00  }
0x65: {  	[hbm4b:s11+s3] =	stream.linear.scatter [tilespmem:s17], [sflag:$0x2], $0x6400, $0x38;
	[tilespmem:$0x1C580] =	vst v63  }
0x66: {  	_ =	swait.ge [sflag:s18], $0x6400  }
0x67: {  	[sflag:s18] =	ssyncset.done $0x0  }
0x68: {  	[sflag:s18] =	ssyncadd.s32 $0xFFFF9C00  }
0x69: {  	[tilespmem:s17], [sflag:$0x3] =	stream.linear.gather [spmem:s8], $0x6400, $0x38;
	[tilespmem:$0x1C580] =	vst v63  }
0x6a: {  	_ =	swait.ge [sflag:s23], $0x6400  }
0x6b: {  	[sflag:s23] =	ssyncset.done $0x0  }
0x6c: {  	[sflag:s23] =	ssyncadd.s32 $0xFFFF9C00  }
0x6d: {  	[hbm4b:s12+s3] =	stream.linear.scatter [tilespmem:s17], [sflag:$0x2], $0x6400, $0x38;
	[tilespmem:$0x1C580] =	vst v63  }
0x6e: {  	_ =	swait.ge [sflag:s18], $0x6400  }
0x6f: {  	[sflag:s18] =	ssyncset.done $0x0  }
0x70: {  	[sflag:s18] =	ssyncadd.s32 $0xFFFF9C00  }
0x71: {  	[tilespmem:s17], [sflag:$0x3] =	stream.linear.gather [spmem:s9], $0x6400, $0x38;
	[tilespmem:$0x1C580] =	vst v63  }
0x72: {  	_ =	swait.ge [sflag:s23], $0x6400  }
0x73: {  	[sflag:s23] =	ssyncset.done $0x0  }
0x74: {  	[sflag:s23] =	ssyncadd.s32 $0xFFFF9C00  }
0x75: {  	[hbm4b:s13+s3] =	stream.linear.scatter [tilespmem:s17], [sflag:$0x2], $0x6400, $0x38;
	[tilespmem:$0x1C580] =	vst v63  }
0x76: {  	_ =	swait.ge [sflag:s18], $0x6400  }
0x77: {  	[sflag:s18] =	ssyncset.done $0x0  }
0x78: {  	s25 =	simm.s32 @!p0 $0x2900;
	s26 =	simm.s32 @!p0 $0x3;
	[sflag:s18] =	ssyncadd.s32 $0xFFFF9C00  }
0x79: {  	[tilespmem:s25], [sflag:$0x3] =	stream.linear.gather @!p0 [spmem:s10], $0x6400, $0x38;
	[tilespmem:$0x1C580] =	vst v63  }
0x7a: {  	_ =	swait.ge @!p0 [sflag:s26], $0x6400  }
0x7b: {  	s24 =	sadd.s32 $0x1, s24;
	[sflag:s26] =	ssyncset.done @!p0 $0x0  }
0x7c: {  	p1 =	sne.s32 s24, s6;
	[sflag:s26] =	ssyncadd.s32 @!p0 $0xFFFF9C00;
	s26 =	simm.s32 @!p0 $0x0  }
0x7d: {  	[hbm4b:s14+s26] =	stream.linear.scatter @!p0 [tilespmem:s25], [sflag:$0x2], $0x6400, $0x38;
	[tilespmem:$0x1C580] =	vst v63  }
.Ltmp1:
0x7e: {  	_ = 	snop;
	(pc) =	sbr.rel @p1 .LBB2_1-.Ltmp1, $4  }
0x7f: {  	s25 =	simm.s32 @!p0 $0x2  }
0x80: {  	_ =	swait.ge @!p0 [sflag:s25], $0x6400  }
0x81: {  	[sflag:s25] =	ssyncset.done @!p0 $0x0  }
0x82: {  	[sflag:s25] =	ssyncadd.s32 @!p0 $0xFFFF9C00  }
0x83: {  	_ =	sfence.sel $0x180000  }
0x84: {  	[bflag:$0x0] =	sbarrier.arrive $0xFFFF  }
0x85: {  	p0 =	sne.s32 s4, $0x0;
	_ =	strace $0x9000004D  }
0x86: {  	s0 =	sadd.s32 @!p0 $0x100000, s0;
	[bflag:$0x2] =	sbarrier.arrive $0xFFFF  }
0x87: {  	[sflag:s0] =	ssyncadd.tile.s32 @!p0 $0x1;
	_ =	shalt  }
.Lfunc_end2:
_tile_overlayer_lowered:
.L_overlay_start_2:
0x88: {  	(tag) =	ssettag $0x2  }
0x89: {  	s0 =	rddreg [dreg:$0x0];
	s2 =	stileid.u32  }
0x8a: {  	s1 =	rddreg [dreg:$0x1];
	p0 =	sne.s32 s2, $0x0  }
0x8b: {  	s3 =	rddreg [dreg:$0x2];
	[bflag:$0x3] =	sbarrier.arrive $0xFFFF;
	s2 =	simm.s32 @!p0 $0x1C02  }
0x8c: {  	[timem:s3], [sflag:s2] =	dma.local @!p0 [hbm:s0], s1  }
0x8d: {  	s0 =	simm.s32 @!p0 $0x2  }
0x8e: {  	_ =	swait.ge @!p0 [sflag:s0], s1  }
0x8f: {  	s1 =	ssub.s32 @!p0 $0x0, s1;
	[sflag:s0] =	ssyncset.done @!p0 $0x0  }
0x90: {  	[sflag:s0] =	ssyncadd.s32 @!p0 s1  }
0x91: {  	[bflag:$0x3] =	sbarrier.arrive $0xFFFF  }
0x92: {  	_ =	shalt  }

// kernel: kernel.8.cloned.1.call-start
scs
__scs_entry_jumppad:
0x0: {  	(pc) =	sbr.rel $0x88, $3  }
0x1: {  	(tag) =	ssettag $0x0;
	lr =	simm.s32 $0x1  }
0x2: {  	[smem:$0x3F9B] =	sst lr;
	_ =	strace $0xD0000000  }
0x3: {  	_ = 	snop  }
0x4: {  	_ = 	snop  }
0x5: {  	_ = 	snop  }
0x6: {  	_ = 	snop  }
0x7: {  	_ = 	snop  }
__scs_overlays_trampoline_lowered:
0x8: {  	[smem:$0x3FAA] =	sst s0  }
0x9: {  	[smem:$0x3FAB] =	sst s1  }
0xa: {  	[smem:$0x3FAC] =	sst s2  }
0xb: {  	[smem:$0x3FAD] =	sst s3  }
0xc: {  	[smem:$0x3FAE] =	sst s4  }
0xd: {  	[smem:$0x3FAF] =	sst s5  }
0xe: {  	[smem:$0x3FB0] =	sst s6  }
0xf: {  	[smem:$0x3FB1] =	sst s7  }
0x10: {  	[smem:$0x3FB2] =	sst s8  }
0x11: {  	[smem:$0x3FB3] =	sst s9;
	s0 =	simm.s32 @!p0 $0x0  }
0x12: {  	s1 =	sld [smem:$0x3F99];
	s0 =	simm.s32 @p0 $0x1  }
0x13: {  	[smem:$0x3FB4] =	sst s0;
	s0 =	simm.s32 @!p1 $0x0  }
0x14: {  	s2 =	sld [smem:$0x3F98];
	s0 =	simm.s32 @p1 $0x1  }
0x15: {  	[smem:$0x3FB5] =	sst s0;
	s0 =	simm.s32 @!p2 $0x0  }
0x16: {  	s3 =	sld [smem:$0x3FDB];
	s0 =	simm.s32 @p2 $0x1  }
0x17: {  	s4 =	simm.s32 $0x1BF5;
	[smem:$0x3FB7] =	sst s0  }
0x18: {  	s0 =	sld [smem:$0x3F9A];
	_ =	swait.ge [sflag:s4], $0x0  }
0x19: {  	s7 =	sld [smem:$0x3F9B]  }
0x1a: {  	s8 =	sadd.s32 $0xFFFFE003, lr  }
0x1b: {  	s9 =	sadd.s32 $0xFFFFFEF7, lr;
	s5 =	simm.s32 $0xFFFFFFFF;
	p2 =	slt.u32 s8, $0xFFFFF086  }
0x1c: {  	p1 =	slt.u32 s9, $0xF7A;
	s5 =	simm.s32 @!p2 $0x0  }
0x1d: {  	s5 =	simm.s32 @p1 $0x1;
	p0 =	seq.s32 s7, s2  }
0x1e: {  	s7 =	smul.u32 @!p0 $0xF7A, s2;
	p2 =	seq.s32 @!p0 s5, $0x0  }
0x1f: {  	s9 =	smul.u32 $0xF7A, s1;
	s8 =	simm.s32 @!p0 $0x1BF5;
	p2 =	por !p2, p0  }
0x20: {  	[sflag:s8] =	ssyncset.s32 @!p0 $0xFFFFF086;
	s6 =	sadd.s32 @!p0 s3, s7;
	s7 =	simm.s32 @!p0 $0x108  }
0x21: {  	s3 =	sadd.s32 s3, s9;
	s6 =	sadd.s32 @!p0 $0x88, s6;
	s7 =	simm.s32 @p2 $0x1082  }
0x22: {  	[simem:s7], [sflag:s8] =	dma.local @!p0 [hbm:s6], $0xF7A  }
0x23: {  	s9 =	sor.u32 $0xD0000000, s2;
	s6 =	simm.s32 $0x108;
	_ =	swait.ge @!p0 [sflag:s8], $0x0  }
0x24: {  	s3 =	sadd.s32 $0x88, s3;
	s6 =	simm.s32 @!p1 $0x1082;
	[sflag:s4] =	ssyncset.s32 $0xFFFFF086  }
0x25: {  	[simem:s6], [sflag:s4] =	dma.local [hbm:s3], $0xF7A  }
0x26: {  	[smem:$0x3F9B] =	sst s1;
	(tag) =	ssettag s2;
	_ =	strace s9  }
0x27: {  	s1 =	sld [smem:$0x3FAB]  }
0x28: {  	s2 =	sld [smem:$0x3FAC]  }
0x29: {  	s4 =	sld [smem:$0x3FAE]  }
0x2a: {  	p0 =	seq.s32 s5, $0x0;
	s5 =	sld [smem:$0x3FAF]  }
0x2b: {  	s6 =	sld [smem:$0x3FB0]  }
0x2c: {  	s7 =	sld [smem:$0x3FB1]  }
0x2d: {  	s3 =	simm.s32 $0x108;
	s8 =	sld [smem:$0x3FB2]  }
0x2e: {  	s3 =	simm.s32 @!p0 $0x1082;
	s9 =	sld [smem:$0x3FB3]  }
0x2f: {  	lr =	sadd.s32 s0, s3;
	s0 =	sld [smem:$0x3FAA]  }
0x30: {  	s3 =	sld [smem:$0x3FAD]  }
0x31: {  	[smem:$0x3FB6] =	sst s10  }
0x32: {  	s10 =	sld [smem:$0x3FB4];
	_ =	sdelay $0x3  }
0x33: {  	p0 =	seq.s32 s10, $0x1;
	s10 =	sld [smem:$0x3FB6];
	_ =	sdelay $0x3  }
0x34: {  	[smem:$0x3FB6] =	sst s10  }
0x35: {  	s10 =	sld [smem:$0x3FB5];
	_ =	sdelay $0x3  }
0x36: {  	p1 =	seq.s32 s10, $0x1;
	s10 =	sld [smem:$0x3FB6];
	_ =	sdelay $0x3  }
0x37: {  	[smem:$0x3FB6] =	sst s10  }
0x38: {  	s10 =	sld [smem:$0x3FB7]  }
0x39: {  	_ = 	snop;
	(pc) =	sbr.ind lr, $3  }
0x3a: {  	_ = 	snop  }
0x3b: {  	_ = 	snop  }
0x3c: {  	p2 =	seq.s32 s10, $0x1;
	s10 =	sld [smem:$0x3FB6]  }
0x3d: {  	_ =	shalt  }
0x3e: {  	_ =	shalt  }
0x3f: {  	_ =	shalt  }
0x40: {  	_ =	shalt  }
0x41: {  	_ =	shalt  }
0x42: {  	_ =	shalt  }
0x43: {  	_ =	shalt  }
0x44: {  	_ =	shalt  }
0x45: {  	_ =	shalt  }
0x46: {  	_ =	shalt  }
0x47: {  	_ =	shalt  }
0x48: {  	_ =	shalt  }
0x49: {  	_ =	shalt  }
0x4a: {  	_ =	shalt  }
0x4b: {  	_ =	shalt  }
0x4c: {  	_ =	shalt  }
0x4d: {  	_ =	shalt  }
0x4e: {  	_ =	shalt  }
0x4f: {  	_ =	shalt  }
0x50: {  	_ =	shalt  }
0x51: {  	_ =	shalt  }
0x52: {  	_ =	shalt  }
0x53: {  	_ =	shalt  }
0x54: {  	_ =	shalt  }
0x55: {  	_ =	shalt  }
0x56: {  	_ =	shalt  }
0x57: {  	_ =	shalt  }
0x58: {  	_ =	shalt  }
0x59: {  	_ =	shalt  }
0x5a: {  	_ =	shalt  }
0x5b: {  	_ =	shalt  }
0x5c: {  	_ =	shalt  }
0x5d: {  	_ =	shalt  }
0x5e: {  	_ =	shalt  }
0x5f: {  	_ =	shalt  }
0x60: {  	_ =	shalt  }
0x61: {  	_ =	shalt  }
0x62: {  	_ =	shalt  }
0x63: {  	_ =	shalt  }
0x64: {  	_ =	shalt  }
0x65: {  	_ =	shalt  }
0x66: {  	_ =	shalt  }
0x67: {  	_ =	shalt  }
0x68: {  	_ =	shalt  }
0x69: {  	_ =	shalt  }
0x6a: {  	_ =	shalt  }
0x6b: {  	_ =	shalt  }
0x6c: {  	_ =	shalt  }
0x6d: {  	_ =	shalt  }
0x6e: {  	_ =	shalt  }
0x6f: {  	_ =	shalt  }
0x70: {  	_ =	shalt  }
0x71: {  	_ =	shalt  }
0x72: {  	_ =	shalt  }
0x73: {  	_ =	shalt  }
0x74: {  	_ =	shalt  }
0x75: {  	_ =	shalt  }
0x76: {  	_ =	shalt  }
0x77: {  	_ =	shalt  }
0x78: {  	_ =	shalt  }
0x79: {  	_ =	shalt  }
0x7a: {  	_ =	shalt  }
0x7b: {  	_ =	shalt  }
0x7c: {  	_ =	shalt  }
0x7d: {  	_ =	shalt  }
0x7e: {  	_ =	shalt  }
0x7f: {  	_ =	shalt  }
0x80: {  	_ =	shalt  }
0x81: {  	_ =	shalt  }
0x82: {  	_ =	shalt  }
0x83: {  	_ =	shalt  }
0x84: {  	_ =	shalt  }
0x85: {  	_ =	shalt  }
0x86: {  	_ =	shalt  }
0x87: {  	_ =	shalt  }
.Lfunc_end0:
.L_simem_size_0:
called_computation_lowered:
.L_overlay_start_0:
0x88: {  	s2 =	sld [smem:$0x3FD9]  }
0x89: {  	s3 =	sld [smem:$0x3FFE];
	_ =	sdelay $0x1  }
0x8a: {  	s1 =	srdreg.scid  }
0x8b: {  	s0 =	sand.u32 $0x1, s1  }
0x8c: {  	s17 =	sshll.u32 s0, $0xA;
	s2 =	sadd.s32 s3, s2  }
0x8d: {  	s2 =	sadd.s32 s2, s17  }
0x8e: {  	[smem:$0x3FC2] =	sst s2  }
0x8f: {  	_ = 	snop  }
0x90: {  	s2 =	sld [smem:$0x3FD0];
	(tm) =	ssettm $0x1  }
0x91: {  	s18 =	sld [smem:$0x3FFB];
	_ =	sdelay $0x3  }
0x92: {  	_ =	strace s18  }
0x93: {  	s3 =	sld [smem:$0x3FFC];
	_ =	sdelay $0x3  }
0x94: {  	_ =	strace s3  }
0x95: {  	s3 =	sld [smem:$0x3FFD];
	_ =	sdelay $0x3  }
0x96: {  	_ =	strace s3  }
0x97: {  	_ =	strace $0x8FFFFFFF  }
0x98: {  	s19 =	sld [smem:$0x3FDB];
	_ =	sdelay $0x1  }
0x99: {  	s4 =	simm.s32 $_scs_section_size  }
0x9a: {  	s5 =	simm.s32 $_size__tile_overlayer_lowered;
	s6 =	simm.s32 $_tile_overlayer_lowered  }
0x9b: {  	s22 =	simm.s32 $0x1BFF;
	s21 =	sshll.u32 s6, $0x1;
	s3 =	sadd.s32 s4, s19  }
0x9c: {  	s7 =	simm.s32 $0x0;
	s20 =	sshll.u32 s5, $0x1;
	s5 =	sadd.s32 s21, s3  }
0x9d: {  	[timem:s7], [sflag:s22] =	dma.local [hbm:s5], s20  }
0x9e: {  	_ =	swait.ge [sflag:s22], s20  }
0x9f: {  	s4 =	ssub.s32 $0x0, s20;
	[sflag:s22] =	ssyncset.done $0x0  }
0xa0: {  	[sflag:s22] =	ssyncadd.s32 s4;
	_ =	sdelay $0x1  }
0xa1: {  	s23 =	simm.s32 $0x1B8B  }
0xa2: {  	_ =	swait.ge [sflag:s23], $0x1  }
0xa3: {  	[sflag:s23] =	ssyncset.done $0x0  }
0xa4: {  	s25 =	simm.s32 $0x1B8E;
	s24 =	sld [smem:$0x3FFE];
	[sflag:s23] =	ssyncadd.s32 $0xFFFFFFFF  }
0xa5: {  	s26 =	simm.s32 $execute0_lowered;
	[smem:$0x3FD2] =	sst s25  }
0xa6: {  	s5 =	sshll.u32 s26, $0x1;
	_ =	strace $0x80000046;
	[dreg:$0x1] =	wrdreg $0xFFFFFFFF  }
0xa7: {  	s28 =	simm.s32 $_size_execute0_lowered;
	s3 =	sadd.s32 s3, s5;
	[dreg:$0x0] =	wrdreg $0x0  }
0xa8: {  	s5 =	sshll.u32 s28, $0x1;
	[dreg:$0x2] =	wrdreg s3  }
0xa9: {  	[dreg:$0x3] =	wrdreg s5  }
0xaa: {  	[dreg:$0x4] =	wrdreg $0xC0  }
0xab: {  	_ =	task [dreg:s7], $0x5FFFF  }
0xac: {  	[dreg:$0x1] =	wrdreg $0xFFFFFFFF  }
0xad: {  	[dreg:$0x0] =	wrdreg $0x60  }
0xae: {  	[dreg:$0x2] =	wrdreg s24  }
0xaf: {  	[dreg:$0x3] =	wrdreg s2  }
0xb0: {  	[dreg:$0x4] =	wrdreg $0xB5000  }
0xb1: {  	[dreg:$0x5] =	wrdreg $0x9  }
0xb2: {  	_ =	task.clear_ibuf [dreg:s7], $0x6FFFF;
	_ =	strace $0x90000046  }
0xb3: {  	s29 =	simm.s32 $0x9;
	_ =	strace $0x80000048  }
0xb4: {  	_ =	swait.ge [sflag:s29], $0x1  }
0xb5: {  	[sflag:s29] =	ssyncadd.s32 $0xFFFFFFFF  }
0xb6: {  	_ =	strace $0x90000048  }
0xb7: {  	_ =	sfence  }
0xb8: {  	s30 =	sld [smem:$0x0];
	_ =	sdelay $0x2  }
0xb9: {  	s31 =	sshll.u32 s1, $0xD;
	s1 =	sshrl.u32 s1, $0x2  }
0xba: {  	s3 =	sand.u32 $0x4000, s31;
	s1 =	sadd.s32 s1, s30  }
0xbb: {  	s0 =	sor.u32 s3, s0;
	s1 =	sshll.u32 s1, $0x11  }
0xbc: {  	s0 =	sor.u32 s1, s0  }
0xbd: {  	s0 =	sadd.s32 $0x8F2B, s0  }
0xbe: {  	[sflag:s0] =	ssyncadd.remote.s32 $0x1  }
0xbf: {  	_ =	sfence.sel $0xFFFF  }
0xc0: {  	[dreg:$0x0] =	wrdreg $0xFFFFFFFF;
	(pc) =	sbr.abs _section_cstart, $3  }
0xc1: {  	[dreg:$0x1] =	wrdreg $0xFFFFFFFF  }
0xc2: {  	_ =	task.clear_ibuf [dreg:s7], $0x2FFFF;
	_ =	strace $0x9FFFFFFF  }
0xc3: {  	(tm) =	ssettm $0x7FFFFFFF  }
tec
execute0_lowered:
.L_overlay_start_1:
0x0: {  	(tag) =	ssettag $0x1  }
0x1: {  	s0 =	srdreg.scid  }
0x2: {  	s6 =	sand.u32 $0x1, s0  }
0x3: {  	s4 =	rddreg [dreg:$0x0];
	s5 =	smul.u32 $0x4E20, s6  }
0x4: {  	s1 =	rddreg [dreg:$0x1];
	s7 =	smul.u32 $0x27100, s6  }
0x5: {  	s2 =	rddreg [dreg:$0x2];
	s3 =	simm.s32 $0x0;
	s15 =	sadd.s32 s5, s4  }
0x6: {  	s5 =	sadd.s32 $0x16600, s4;
	s7 =	sadd.s32 s7, s4;
	s4 =	stileid.u32  }
0x7: {  	s22 =	simm.s32 $0x50;
	s23 =	simm.s32 $0x80;
	s8 =	smul.u32 $0x19000, s4  }
0x8: {  	s24 =	simm.s32 $0x2;
	s25 =	simm.s32 $0x0;
	s17 =	smul.u32 $0xC80, s4  }
0x9: {  	s0 =	rddreg [dreg:$0x3];
	s9 =	sor.u32 $0x10, s4;
	s21 =	smul.u32 $0x4E2, s4  }
0xa: {  	[smem:$0x7FF] =	sst s3;
	s12 =	sor.u32 $0x20, s4;
	s11 =	smul.u32 $0x19000, s9  }
0xb: {  	s6 =	ssub.s32 $0x2, s6;
	s18 =	sor.u32 $0x30, s4;
	s13 =	smul.u32 $0x19000, s12  }
0xc: {  	_ =	strace $0x80000047;
	s10 =	sshrl.u32 s6, $0x1;
	s14 =	smul.u32 $0x19000, s18  }
0xd: {  	s10 =	ssub.s32 s6, s10;
	s6 =	sadd.s32 $0x500, s1;
	s19 =	smul.u32 $0xC80, s9  }
0xe: {  	s16 =	sadd.s32 $0x17400, s7;
	s7 =	smax.u32 s10, $0x1;
	s20 =	smul.u32 $0xC80, s12  }
0xf: {  	s30 =	smul.u32 $0xC80, s18;
	p0 =	sgt.u32 s18, $0x31;
	s18 =	simm.s32 $0x5100  }
0x10: {  	s8 =	sshrl.u32 s8, $0x2;
	s12 =	sadd.s32 s16, s17;
	s31 =	sadd.s32 s21, s15  }
0x11: {  	s21 =	simm.s32 $0x2900;
	s8 =	sadd.s32 s8, s2;
	s26 =	sshrl.u32 s11, $0x2  }
0x12: {  	s28 =	sshrl.u32 s13, $0x2;
	s29 =	sshrl.u32 s14, $0x2;
	s13 =	sadd.s32 s16, s19  }
0x13: {  	s14 =	sadd.s32 s16, s20;
	s15 =	sadd.s32 s16, s30;
	s16 =	sadd.s32 $0xC800, s31  }
0x14: {  	s17 =	sadd.s32 $0x2A00, s31;
	s19 =	simm.s32 $0x1;
	s20 =	simm.s32 $0x100  }
0x15: {  	s9 =	sadd.s32 s26, s2;
	s10 =	sadd.s32 s28, s2;
	s11 =	sadd.s32 s29, s2  }
.LBB2_1:
0x16: {  	[tilespmem:s18], [sflag:$0x1] =	stream.linear.gather [hbm4b:s5+s3], $0x6400, $0x38;
	[tilespmem:$0x1ED80] =	vst v63  }
0x17: {  	_ =	swait.ge [sflag:s19], $0x6400  }
0x18: {  	[sflag:s19] =	ssyncset.done $0x0  }
0x19: {  	[sflag:s19] =	ssyncadd.s32 $0xFFFF9C00  }
0x1a: {  	[tilespmem:s20], [sflag:$0x1] =	stream.linear.gather [hbm4b:s1+s3], $0x2800, $0x38;
	[tilespmem:$0x1ED80] =	vst v63  }
0x1b: {  	_ =	swait.ge [sflag:s19], $0x2800  }
0x1c: {  	[sflag:s19] =	ssyncset.done $0x0  }
0x1d: {  	[sflag:s19] =	ssyncadd.s32 $0xFFFFD800  }
0x1e: {  	[tilespmem:s21], [sflag:$0x1] =	stream.linear.gather [hbm4b:s6+s3], $0x2800, $0x38;
	[tilespmem:$0x1ED80] =	vst v63  }
0x1f: {  	_ =	swait.ge [sflag:s19], $0x2800  }
0x20: {  	[sflag:s19] =	ssyncset.done $0x0  }
0x21: {  	[sflag:s19] =	ssyncadd.s32 $0xFFFFD800  }
0x22: {  	[spmem:s8] =	stream.linear.scatter [tilespmem:s18], [sflag:$0x1], $0x6400, $0x38;
	[tilespmem:$0x1ED80] =	vst v63  }
0x23: {  	_ =	swait.ge [sflag:s19], $0x6400  }
0x24: {  	[sflag:s19] =	ssyncset.done $0x0  }
0x25: {  	[sflag:s19] =	ssyncadd.s32 $0xFFFF9C00  }
0x26: {  	[spmem:s9] =	stream.linear.scatter [tilespmem:s18], [sflag:$0x1], $0x6400, $0x38;
	[tilespmem:$0x1ED80] =	vst v63  }
0x27: {  	_ =	swait.ge [sflag:s19], $0x6400  }
0x28: {  	[sflag:s19] =	ssyncset.done $0x0  }
0x29: {  	[sflag:s19] =	ssyncadd.s32 $0xFFFF9C00  }
0x2a: {  	[spmem:s10] =	stream.linear.scatter [tilespmem:s18], [sflag:$0x1], $0x6400, $0x38;
	[tilespmem:$0x1ED80] =	vst v63  }
0x2b: {  	_ =	swait.ge [sflag:s19], $0x6400  }
0x2c: {  	[sflag:s19] =	ssyncset.done $0x0  }
0x2d: {  	s26 =	simm.s32 @!p0 $0x5100;
	[sflag:s19] =	ssyncadd.s32 $0xFFFF9C00  }
0x2e: {  	[spmem:s11] =	stream.linear.scatter @!p0 [tilespmem:s26], [sflag:$0x1], $0x6400, $0x38;
	[tilespmem:$0x1ED80] =	vst v63  }
0x2f: {  	s26 =	simm.s32 @!p0 $0x1  }
0x30: {  	_ =	swait.ge @!p0 [sflag:s26], $0x6400  }
0x31: {  	[sflag:s26] =	ssyncset.done @!p0 $0x0  }
0x32: {  	[sflag:s26] =	ssyncadd.s32 @!p0 $0xFFFF9C00  }
0x33: {  	s30 =	sadd.s32 $0x0, s16;
	[bflag:$0x0] =	sbarrier.arrive $0xFFFF  }
0x34: {  	[tilespmem:s3], [sflag:$0x1] =	stream.linear.gather [hbm4b:s30+s3], $0x50, $0x38;
	[tilespmem:$0x1ED80] =	vst v63  }
0x35: {  	_ =	swait.ge [sflag:s19], $0x50  }
0x36: {  	[sflag:s19] =	ssyncset.done $0x0  }
0x37: {  	[sflag:s19] =	ssyncadd.s32 $0xFFFFFFB0  }
0x38: {  	[spmem:s2] =	stream.indirect.scatter.add.f32 [tilespmem:s20], [sflag:$0x1], $0x80, s3, s22, $0xb8;
	[tilespmem:$0x1ED80] =	vst v63  }
0x39: {  	_ =	swait.ge [sflag:s19], $0x2800  }
0x3a: {  	[sflag:s19] =	ssyncset.done $0x0  }
0x3b: {  	s31 =	sadd.s32 $0x0, s17;
	[sflag:s19] =	ssyncadd.s32 $0xFFFFD800  }
0x3c: {  	[tilespmem:s23], [sflag:$0x1] =	stream.linear.gather [hbm4b:s31+s3], $0x50, $0x38;
	[tilespmem:$0x1ED80] =	vst v63  }
0x3d: {  	_ =	swait.ge [sflag:s19], $0x50  }
0x3e: {  	[sflag:s19] =	ssyncset.done $0x0  }
0x3f: {  	[sflag:s19] =	ssyncadd.s32 $0xFFFFFFB0  }
0x40: {  	[spmem:s2] =	stream.indirect.scatter.add.f32 [tilespmem:s21], [sflag:$0x1], $0x80, s23, s22, $0xb8;
	[tilespmem:$0x1ED80] =	vst v63  }
0x41: {  	_ =	swait.ge [sflag:s19], $0x2800  }
0x42: {  	s28 =	simm.s32 $0x14;
	s26 =	simm.s32 $0xA;
	[sflag:s19] =	ssyncset.done $0x0  }
.LBB2_2:
0x43: {  	s29 =	sadd.s32 s26, s16  }
0x44: {  	[sflag:s19] =	ssyncadd.s32 $0xFFFFD800;
	s30 =	smov.u32 s28;
	s31 =	sadd.s32 $0xA, s28  }
0x45: {  	[tilespmem:s3], [sflag:$0x1] =	stream.linear.gather [hbm4b:s29+s3], $0x50, $0x38;
	[tilespmem:$0x1ED80] =	vst v63  }
0x46: {  	p1 =	sne.s32 s28, $0x4D8;
	_ =	swait.ge [sflag:s19], $0x50  }
0x47: {  	[sflag:s19] =	ssyncset.done $0x0  }
0x48: {  	[sflag:s19] =	ssyncadd.s32 $0xFFFFFFB0  }
0x49: {  	[spmem:s2] =	stream.indirect.scatter.add.f32 [tilespmem:s20], [sflag:$0x1], $0x80, s3, s22, $0xb8;
	[tilespmem:$0x1ED80] =	vst v63  }
0x4a: {  	_ =	swait.ge [sflag:s19], $0x2800  }
0x4b: {  	[sflag:s19] =	ssyncset.done $0x0  }
0x4c: {  	s28 =	sadd.s32 s26, s17;
	s26 =	smov.u32 s30;
	[sflag:s19] =	ssyncadd.s32 $0xFFFFD800  }
0x4d: {  	[tilespmem:s23], [sflag:$0x1] =	stream.linear.gather [hbm4b:s28+s3], $0x50, $0x38;
	[tilespmem:$0x1ED80] =	vst v63  }
0x4e: {  	_ =	swait.ge [sflag:s19], $0x50  }
.Ltmp0:
0x4f: {  	[sflag:s19] =	ssyncset.done $0x0;
	(pc) =	sbr.rel @p1 .LBB2_2-.Ltmp0, $4  }
0x50: {  	[sflag:s19] =	ssyncadd.s32 $0xFFFFFFB0  }
0x51: {  	[spmem:s2] =	stream.indirect.scatter.add.f32 [tilespmem:s21], [sflag:$0x1], $0x80, s23, s22, $0xb8;
	[tilespmem:$0x1ED80] =	vst v63  }
0x52: {  	_ =	swait.ge [sflag:s19], $0x2800  }
0x53: {  	s28 =	smov.u32 s31;
	[sflag:s19] =	ssyncset.done $0x0  }
0x54: {  	s28 =	sadd.s32 s26, s16;
	[sflag:s19] =	ssyncadd.s32 $0xFFFFD800  }
0x55: {  	[tilespmem:s3], [sflag:$0x1] =	stream.linear.gather [hbm4b:s28+s3], $0x50, $0x38;
	[tilespmem:$0x1ED80] =	vst v63  }
0x56: {  	_ =	swait.ge [sflag:s19], $0x50  }
0x57: {  	[sflag:s19] =	ssyncset.done $0x0  }
0x58: {  	[sflag:s19] =	ssyncadd.s32 $0xFFFFFFB0  }
0x59: {  	[spmem:s2] =	stream.indirect.scatter.add.f32 [tilespmem:s20], [sflag:$0x1], $0x80, s3, s22, $0xb8;
	[tilespmem:$0x1ED80] =	vst v63  }
0x5a: {  	_ =	swait.ge [sflag:s19], $0x2800  }
0x5b: {  	[sflag:s19] =	ssyncset.done $0x0  }
0x5c: {  	s31 =	sadd.s32 s26, s17;
	[sflag:s19] =	ssyncadd.s32 $0xFFFFD800  }
0x5d: {  	[tilespmem:s23], [sflag:$0x1] =	stream.linear.gather [hbm4b:s31+s3], $0x50, $0x38;
	[tilespmem:$0x1ED80] =	vst v63  }
0x5e: {  	_ =	swait.ge [sflag:s19], $0x50  }
0x5f: {  	[sflag:s19] =	ssyncset.done $0x0  }
0x60: {  	[sflag:s19] =	ssyncadd.s32 $0xFFFFFFB0  }
0x61: {  	[spmem:s2] =	stream.indirect.scatter.add.f32 [tilespmem:s21], [sflag:$0x1], $0x80, s23, s22, $0xb8;
	[tilespmem:$0x1ED80] =	vst v63  }
0x62: {  	_ =	swait.ge [sflag:s19], $0x2800  }
0x63: {  	[sflag:s19] =	ssyncset.done $0x0  }
0x64: {  	[sflag:s19] =	ssyncadd.s32 $0xFFFFD800  }
0x65: {  	[bflag:$0x0] =	sbarrier.arrive $0xFFFF  }
0x66: {  	[tilespmem:s18], [sflag:$0x2] =	stream.linear.gather [spmem:s8], $0x6400, $0x38;
	[tilespmem:$0x1ED80] =	vst v63  }
0x67: {  	_ =	swait.ge [sflag:s24], $0x6400  }
0x68: {  	[sflag:s24] =	ssyncset.done $0x0  }
0x69: {  	[sflag:s24] =	ssyncadd.s32 $0xFFFF9C00  }
0x6a: {  	[hbm4b:s12+s3] =	stream.linear.scatter [tilespmem:s18], [sflag:$0x1], $0x6400, $0x38;
	[tilespmem:$0x1ED80] =	vst v63  }
0x6b: {  	_ =	swait.ge [sflag:s19], $0x6400  }
0x6c: {  	[sflag:s19] =	ssyncset.done $0x0  }
0x6d: {  	[sflag:s19] =	ssyncadd.s32 $0xFFFF9C00  }
0x6e: {  	[tilespmem:s18], [sflag:$0x2] =	stream.linear.gather [spmem:s9], $0x6400, $0x38;
	[tilespmem:$0x1ED80] =	vst v63  }
0x6f: {  	_ =	swait.ge [sflag:s24], $0x6400  }
0x70: {  	[sflag:s24] =	ssyncset.done $0x0  }
0x71: {  	[sflag:s24] =	ssyncadd.s32 $0xFFFF9C00  }
0x72: {  	[hbm4b:s13+s3] =	stream.linear.scatter [tilespmem:s18], [sflag:$0x1], $0x6400, $0x38;
	[tilespmem:$0x1ED80] =	vst v63  }
0x73: {  	_ =	swait.ge [sflag:s19], $0x6400  }
0x74: {  	[sflag:s19] =	ssyncset.done $0x0  }
0x75: {  	[sflag:s19] =	ssyncadd.s32 $0xFFFF9C00  }
0x76: {  	[tilespmem:s18], [sflag:$0x2] =	stream.linear.gather [spmem:s10], $0x6400, $0x38;
	[tilespmem:$0x1ED80] =	vst v63  }
0x77: {  	_ =	swait.ge [sflag:s24], $0x6400  }
0x78: {  	[sflag:s24] =	ssyncset.done $0x0  }
0x79: {  	[sflag:s24] =	ssyncadd.s32 $0xFFFF9C00  }
0x7a: {  	[hbm4b:s14+s3] =	stream.linear.scatter [tilespmem:s18], [sflag:$0x1], $0x6400, $0x38;
	[tilespmem:$0x1ED80] =	vst v63  }
0x7b: {  	_ =	swait.ge [sflag:s19], $0x6400  }
0x7c: {  	[sflag:s19] =	ssyncset.done $0x0  }
0x7d: {  	s26 =	simm.s32 @!p0 $0x5100;
	s28 =	simm.s32 @!p0 $0x2;
	[sflag:s19] =	ssyncadd.s32 $0xFFFF9C00  }
0x7e: {  	[tilespmem:s26], [sflag:$0x2] =	stream.linear.gather @!p0 [spmem:s11], $0x6400, $0x38;
	[tilespmem:$0x1ED80] =	vst v63  }
0x7f: {  	_ =	swait.ge @!p0 [sflag:s28], $0x6400  }
0x80: {  	s25 =	sadd.s32 $0x1, s25;
	[sflag:s28] =	ssyncset.done @!p0 $0x0  }
0x81: {  	p1 =	sne.s32 s25, s7;
	[sflag:s28] =	ssyncadd.s32 @!p0 $0xFFFF9C00;
	s28 =	simm.s32 @!p0 $0x0  }
0x82: {  	[hbm4b:s15+s28] =	stream.linear.scatter @!p0 [tilespmem:s26], [sflag:$0x1], $0x6400, $0x38;
	[tilespmem:$0x1ED80] =	vst v63  }
.Ltmp1:
0x83: {  	_ = 	snop;
	(pc) =	sbr.rel @p1 .LBB2_1-.Ltmp1, $4  }
0x84: {  	s26 =	simm.s32 @!p0 $0x1  }
0x85: {  	_ =	swait.ge @!p0 [sflag:s26], $0x6400  }
0x86: {  	[sflag:s26] =	ssyncset.done @!p0 $0x0  }
0x87: {  	[sflag:s26] =	ssyncadd.s32 @!p0 $0xFFFF9C00  }
0x88: {  	_ =	sfence.sel $0x180000  }
0x89: {  	[bflag:$0x0] =	sbarrier.arrive $0xFFFF  }
0x8a: {  	p0 =	sne.s32 s4, $0x0;
	_ =	strace $0x90000047  }
0x8b: {  	s0 =	sadd.s32 @!p0 $0x100000, s0;
	[bflag:$0x2] =	sbarrier.arrive $0xFFFF  }
0x8c: {  	[sflag:s0] =	ssyncadd.tile.s32 @!p0 $0x1;
	_ =	shalt  }
.Lfunc_end2:
_tile_overlayer_lowered:
.L_overlay_start_2:
0x8d: {  	(tag) =	ssettag $0x2  }
0x8e: {  	s0 =	rddreg [dreg:$0x0];
	s2 =	stileid.u32  }
0x8f: {  	s1 =	rddreg [dreg:$0x1];
	p0 =	sne.s32 s2, $0x0  }
0x90: {  	s3 =	rddreg [dreg:$0x2];
	[bflag:$0x3] =	sbarrier.arrive $0xFFFF;
	s2 =	simm.s32 @!p0 $0x1C01  }
0x91: {  	[timem:s3], [sflag:s2] =	dma.local @!p0 [hbm:s0], s1  }
0x92: {  	s0 =	simm.s32 @!p0 $0x1  }
0x93: {  	_ =	swait.ge @!p0 [sflag:s0], s1  }
0x94: {  	s1 =	ssub.s32 @!p0 $0x0, s1;
	[sflag:s0] =	ssyncset.done @!p0 $0x0  }
0x95: {  	[sflag:s0] =	ssyncadd.s32 @!p0 s1  }
0x96: {  	[bflag:$0x3] =	sbarrier.arrive $0xFFFF  }
0x97: {  	_ =	shalt  }

</sc_bundles>
